<compile_context>
chip_gen: v7x
topology: tpu7x:2x2x1
jax: 0.10.2.dev20260603
libtpu: 0.0.44.dev20260713+nightly
codegen_flags: <defaults>
</compile_context>

<pallas_src>
import functools

import jax
import jax.numpy as jnp
from jax import lax
from jax.experimental import pallas as pl
from jax.experimental.pallas import tpu as pltpu
from jax.experimental.pallas import tpu_sc as plsc

B = 50000
D = 256
V_PAD = 128
CHUNK = 128
NW = 32
LANES = 16
N_FULL = B // CHUNK
TAIL = B - N_FULL * CHUNK
BASE_CPW = N_FULL // NW
EXTRA = N_FULL - BASE_CPW * NW
MAX_CPW = BASE_CPW + 1
IDXBUF = MAX_CPW * CHUNK


NBUF = 3


def _gather_kernel(idx_hbm, table_hbm, out_hbm,
                   idx_v, rows0, rows1, rows2, sg0, sg1, sg2, ss0, ss1, ss2):
    wid = lax.axis_index("s") * 2 + lax.axis_index("c")
    nc = BASE_CPW + jnp.where(wid < EXTRA, 1, 0)
    base_chunk = BASE_CPW * wid + jnp.minimum(wid, EXTRA)
    base_row = base_chunk * CHUNK

    bufs = (rows0, rows1, rows2)
    sem_g = (sg0, sg1, sg2)
    sem_s = (ss0, ss1, ss2)

    pltpu.sync_copy(idx_hbm.at[pl.ds(base_row, BASE_CPW * CHUNK)],
                    idx_v.at[pl.ds(0, BASE_CPW * CHUNK)])

    @pl.when(wid < EXTRA)
    def _():
        pltpu.sync_copy(idx_hbm.at[pl.ds(base_row + BASE_CPW * CHUNK, CHUNK)],
                        idx_v.at[pl.ds(BASE_CPW * CHUNK, CHUNK)])

    @pl.when(wid == NW - 1)
    def _():
        pltpu.sync_copy(idx_hbm.at[pl.ds(N_FULL * CHUNK, TAIL)],
                        idx_v.at[pl.ds(BASE_CPW * CHUNK, TAIL)])

    def remap(k, _):
        sl = pl.ds(k * LANES, LANES)
        idx_v[sl] = idx_v[sl] * NW + wid
        return 0

    lax.fori_loop(0, IDXBUF // LANES, remap, 0)

    def gather(i):
        return pltpu.make_async_copy(
            table_hbm.at[idx_v.at[pl.ds(i * CHUNK, CHUNK)]],
            bufs[i % NBUF], sem_g[i % NBUF])

    def scatter(i):
        return pltpu.make_async_copy(
            bufs[i % NBUF], out_hbm.at[pl.ds(base_row + i * CHUNK, CHUNK)],
            sem_s[i % NBUF])

    gather(0).start()
    gather(1).start()
    for i in range(MAX_CPW):
        if i + 2 < MAX_CPW:
            @pl.when(i + 2 < nc)
            def _(i=i):
                if i >= 1:
                    scatter(i - 1).wait()
                gather(i + 2).start()

        @pl.when(i < nc)
        def _(i=i):
            gather(i).wait()
            scatter(i).start()

    scatter(0).wait()
    scatter(1).wait()
    scatter(2).wait()

    @pl.when(wid == NW - 1)
    def _():
        pltpu.async_copy(
            table_hbm.at[idx_v.at[pl.ds(BASE_CPW * CHUNK, TAIL)]],
            rows0.at[pl.ds(0, TAIL)], sg0).wait()
        pltpu.sync_copy(rows0.at[pl.ds(0, TAIL)],
                        out_hbm.at[pl.ds(N_FULL * CHUNK, TAIL)])


@jax.jit
def _run(atomic_numbers, table32):
    mesh = plsc.VectorSubcoreMesh(core_axis_name="c", subcore_axis_name="s")
    f = functools.partial(
        pl.kernel, mesh=mesh,
        out_type=jax.ShapeDtypeStruct((B, D), jnp.float32),
        compiler_params=pltpu.CompilerParams(
            disable_bounds_checks=True,
            disable_semaphore_checks=True,
            skip_device_barrier=True,
        ),
        scratch_types=[
            pltpu.VMEM((IDXBUF,), jnp.int32),
            pltpu.VMEM((CHUNK, D), jnp.float32),
            pltpu.VMEM((CHUNK, D), jnp.float32),
            pltpu.VMEM((CHUNK, D), jnp.float32),
            pltpu.SemaphoreType.DMA,
            pltpu.SemaphoreType.DMA,
            pltpu.SemaphoreType.DMA,
            pltpu.SemaphoreType.DMA,
            pltpu.SemaphoreType.DMA,
            pltpu.SemaphoreType.DMA,
        ],
    )(_gather_kernel)
    return f(atomic_numbers, table32)


def kernel(atomic_numbers, table):
    table32 = jnp.repeat(table, NW, axis=0)
    return _run(atomic_numbers.astype(jnp.int32), table32)

# --- scband reference (transcript-rebuilt; emitter-appended) ---
"""Pipeline reference for scband-atom-features-14766097564114 (READ-ONLY COPY).

The authoritative reference and input builder live on the scoring server;
editing this copy changes nothing except your own understanding.
"""

import jax, jax.numpy as jnp
import numpy as np


def setup_inputs(seed: int = 0) -> dict:
    key = jax.random.key(seed)
    k_idx, k_tab = jax.random.split(key)
    atomic_numbers = jax.random.randint(k_idx, (50000,), 0, 100, dtype=jnp.int64 if jax.config.read('jax_enable_x64') else jnp.int32)
    # learned embedding table per init_kwargs: [max_atomic_num=100, hidden_dim=256]
    table = jax.random.normal(k_tab, (100, 256), dtype=jnp.float32)
    return {"atomic_numbers": atomic_numbers, "table": table}


def reference(atomic_numbers, table):
    # nn.Embedding forward: row-gather from the embedding table
    return jnp.take(table, atomic_numbers, axis=0)

if __name__ == "__main__":
    import jax
    _d = setup_inputs()
    print(jax.jit(kernel)(*tuple(_d.values())))

</pallas_src>

<mosaic_0001>
#map = affine_map<(d0, d1) -> (0)>
#map1 = affine_map<(d0, d1) -> (0, 0)>
module attributes {stable_mosaic.version = 14 : i64} {
  func.func @_gather_kernel(%arg0: i32, %arg1: i32, %arg2: memref<50000xi32, #tpu.memory_space<hbm>>, %arg3: memref<3200x256xf32, #tpu.memory_space<hbm>>, %arg4: memref<50000x256xf32, #tpu.memory_space<hbm>>, %arg5: memref<1664xi32, #tpu.memory_space<vmem>>, %arg6: memref<128x256xf32, #tpu.memory_space<vmem>>, %arg7: memref<128x256xf32, #tpu.memory_space<vmem>>, %arg8: memref<128x256xf32, #tpu.memory_space<vmem>>, %arg9: memref<!tpu.dma_semaphore, #tpu.memory_space<semaphore_mem>>, %arg10: memref<!tpu.dma_semaphore, #tpu.memory_space<semaphore_mem>>, %arg11: memref<!tpu.dma_semaphore, #tpu.memory_space<semaphore_mem>>, %arg12: memref<!tpu.dma_semaphore, #tpu.memory_space<semaphore_mem>>, %arg13: memref<!tpu.dma_semaphore, #tpu.memory_space<semaphore_mem>>, %arg14: memref<!tpu.dma_semaphore, #tpu.memory_space<semaphore_mem>>) attributes {dimension_semantics = [#tpu.dimension_semantics<core_parallel>, #tpu.dimension_semantics<subcore_parallel>], iteration_bounds = array<i64: 2, 16>, scalar_prefetch = 0 : i64, scratch_operands = 10 : i64, tpu.core_type = #tpu.core_type<sc_vector_subcore>, window_params = [{transform_indices = #map}, {transform_indices = #map1}, {transform_indices = #map1}]} {
    %mul3A = arith.constant 2 : i32
    %mul3A_0 = arith.muli %arg1, %mul3A : i32
    %add3A = arith.addi %mul3A_0, %arg0 : i32
    %lt3A = arith.constant 6 : i32
    %lt3A_1 = arith.cmpi slt, %add3A, %lt3A : i32
    %jit3A = arith.constant 1 : i32
    %jit3A_2 = arith.constant 0 : i32
    %select_n3A = arith.select %lt3A_1, %jit3A, %jit3A_2 : i32
    %add3A_3 = arith.constant 12 : i32
    %add3A_4 = arith.addi %add3A_3, %select_n3A : i32
    %mul3A_5 = arith.constant 12 : i32
    %mul3A_6 = arith.muli %mul3A_5, %add3A : i32
    %min3A = arith.constant 6 : i32
    %min3A_7 = arith.minsi %add3A, %min3A : i32
    %add3A_8 = arith.addi %mul3A_6, %min3A_7 : i32
    %mul3A_9 = arith.constant 128 : i32
    %mul3A_10 = arith.muli %add3A_8, %mul3A_9 : i32
    "tpu.region"() ({
      %run_scoped3A = tpu.sem_alloc : memref<!tpu.dma_semaphore, #tpu.memory_space<semaphore_mem>>
      %dma_start3A_174 = arith.constant 0 : i32
      %dma_start3A_175 = tpu.memref_slice %arg5[%dma_start3A_174] : memref<1664xi32, #tpu.memory_space<vmem>> -> memref<1536xi32, #tpu.memory_space<vmem>>
      %dma_start3A_176 = tpu.memref_slice %arg2[%mul3A_10] : memref<50000xi32, #tpu.memory_space<hbm>> -> memref<1536xi32, #tpu.memory_space<hbm>>
      %dma_start3A_177 = arith.constant 0 : i32
      %dma_start3A_178 = tpu.memref_slice %arg5[%dma_start3A_177] : memref<1664xi32, #tpu.memory_space<vmem>> -> memref<1536xi32, #tpu.memory_space<vmem>>
      %dma_start3A_179 = tpu.memref_slice %arg2[%mul3A_10] : memref<50000xi32, #tpu.memory_space<hbm>> -> memref<1536xi32, #tpu.memory_space<hbm>>
      tpu.enqueue_dma source(%dma_start3A_179 : memref<1536xi32, #tpu.memory_space<hbm>>) target(%dma_start3A_178 : memref<1536xi32, #tpu.memory_space<vmem>>) target_semaphore(%run_scoped3A : memref<!tpu.dma_semaphore, #tpu.memory_space<semaphore_mem>>)
      %dma_wait3A_180 = arith.constant 0 : i32
      %dma_wait3A_181 = tpu.memref_slice %arg5[%dma_wait3A_180] : memref<1664xi32, #tpu.memory_space<vmem>> -> memref<1536xi32, #tpu.memory_space<vmem>>
      %dma_wait3A_182 = tpu.memref_slice %arg2[%mul3A_10] : memref<50000xi32, #tpu.memory_space<hbm>> -> memref<1536xi32, #tpu.memory_space<hbm>>
      %dma_wait3A_183 = arith.constant 0 : i32
      %dma_wait3A_184 = tpu.memref_slice %arg5[%dma_wait3A_183] : memref<1664xi32, #tpu.memory_space<vmem>> -> memref<1536xi32, #tpu.memory_space<vmem>>
      %dma_wait3A_185 = tpu.memref_slice %arg2[%mul3A_10] : memref<50000xi32, #tpu.memory_space<hbm>> -> memref<1536xi32, #tpu.memory_space<hbm>>
      tpu.wait_dma2 semaphore(%run_scoped3A : memref<!tpu.dma_semaphore, #tpu.memory_space<semaphore_mem>>) src(%dma_wait3A_185 : memref<1536xi32, #tpu.memory_space<hbm>>) dst(%dma_wait3A_184 : memref<1536xi32, #tpu.memory_space<vmem>>)
      tpu.yield
    }) : () -> ()
    %lt3A_11 = arith.constant 6 : i32
    %lt3A_12 = arith.cmpi slt, %add3A, %lt3A_11 : i32
    %convert_element_type3A = arith.extui %lt3A_12 : i1 to i32
    %cond3A = arith.constant 0 : i32
    %cond3A_13 = arith.cmpi ne, %convert_element_type3A, %cond3A : i32
    scf.if %cond3A_13 {
      %add3A_174 = arith.constant 1536 : i32
      %add3A_175 = arith.addi %mul3A_10, %add3A_174 : i32
      "tpu.region"() ({
        %run_scoped3A = tpu.sem_alloc : memref<!tpu.dma_semaphore, #tpu.memory_space<semaphore_mem>>
        %dma_start3A_176 = arith.constant 1536 : i32
        %dma_start3A_177 = tpu.memref_slice %arg5[%dma_start3A_176] : memref<1664xi32, #tpu.memory_space<vmem>> -> memref<128xi32, #tpu.memory_space<vmem>>
        %dma_start3A_178 = tpu.memref_slice %arg2[%add3A_175] : memref<50000xi32, #tpu.memory_space<hbm>> -> memref<128xi32, #tpu.memory_space<hbm>>
        %dma_start3A_179 = arith.constant 1536 : i32
        %dma_start3A_180 = tpu.memref_slice %arg5[%dma_start3A_179] : memref<1664xi32, #tpu.memory_space<vmem>> -> memref<128xi32, #tpu.memory_space<vmem>>
        %dma_start3A_181 = tpu.memref_slice %arg2[%add3A_175] : memref<50000xi32, #tpu.memory_space<hbm>> -> memref<128xi32, #tpu.memory_space<hbm>>
        tpu.enqueue_dma source(%dma_start3A_181 : memref<128xi32, #tpu.memory_space<hbm>>) target(%dma_start3A_180 : memref<128xi32, #tpu.memory_space<vmem>>) target_semaphore(%run_scoped3A : memref<!tpu.dma_semaphore, #tpu.memory_space<semaphore_mem>>)
        %dma_wait3A_182 = arith.constant 1536 : i32
        %dma_wait3A_183 = tpu.memref_slice %arg5[%dma_wait3A_182] : memref<1664xi32, #tpu.memory_space<vmem>> -> memref<128xi32, #tpu.memory_space<vmem>>
        %dma_wait3A_184 = tpu.memref_slice %arg2[%add3A_175] : memref<50000xi32, #tpu.memory_space<hbm>> -> memref<128xi32, #tpu.memory_space<hbm>>
        %dma_wait3A_185 = arith.constant 1536 : i32
        %dma_wait3A_186 = tpu.memref_slice %arg5[%dma_wait3A_185] : memref<1664xi32, #tpu.memory_space<vmem>> -> memref<128xi32, #tpu.memory_space<vmem>>
        %dma_wait3A_187 = tpu.memref_slice %arg2[%add3A_175] : memref<50000xi32, #tpu.memory_space<hbm>> -> memref<128xi32, #tpu.memory_space<hbm>>
        tpu.wait_dma2 semaphore(%run_scoped3A : memref<!tpu.dma_semaphore, #tpu.memory_space<semaphore_mem>>) src(%dma_wait3A_187 : memref<128xi32, #tpu.memory_space<hbm>>) dst(%dma_wait3A_186 : memref<128xi32, #tpu.memory_space<vmem>>)
        tpu.yield
      }) : () -> ()
    } else {
    }
    %eq3A = arith.constant 31 : i32
    %eq3A_14 = arith.cmpi eq, %add3A, %eq3A : i32
    %convert_element_type3A_15 = arith.extui %eq3A_14 : i1 to i32
    %cond3A_16 = arith.constant 0 : i32
    %cond3A_17 = arith.cmpi ne, %convert_element_type3A_15, %cond3A_16 : i32
    scf.if %cond3A_17 {
      "tpu.region"() ({
        %run_scoped3A = tpu.sem_alloc : memref<!tpu.dma_semaphore, #tpu.memory_space<semaphore_mem>>
        %dma_start3A_174 = arith.constant 1536 : i32
        %dma_start3A_175 = tpu.memref_slice %arg5[%dma_start3A_174] : memref<1664xi32, #tpu.memory_space<vmem>> -> memref<80xi32, #tpu.memory_space<vmem>>
        %dma_start3A_176 = arith.constant 49920 : i32
        %dma_start3A_177 = tpu.memref_slice %arg2[%dma_start3A_176] : memref<50000xi32, #tpu.memory_space<hbm>> -> memref<80xi32, #tpu.memory_space<hbm>>
        %dma_start3A_178 = arith.constant 1536 : i32
        %dma_start3A_179 = tpu.memref_slice %arg5[%dma_start3A_178] : memref<1664xi32, #tpu.memory_space<vmem>> -> memref<80xi32, #tpu.memory_space<vmem>>
        %dma_start3A_180 = arith.constant 49920 : i32
        %dma_start3A_181 = tpu.memref_slice %arg2[%dma_start3A_180] : memref<50000xi32, #tpu.memory_space<hbm>> -> memref<80xi32, #tpu.memory_space<hbm>>
        tpu.enqueue_dma source(%dma_start3A_181 : memref<80xi32, #tpu.memory_space<hbm>>) target(%dma_start3A_179 : memref<80xi32, #tpu.memory_space<vmem>>) target_semaphore(%run_scoped3A : memref<!tpu.dma_semaphore, #tpu.memory_space<semaphore_mem>>)
        %dma_wait3A_182 = arith.constant 1536 : i32
        %dma_wait3A_183 = tpu.memref_slice %arg5[%dma_wait3A_182] : memref<1664xi32, #tpu.memory_space<vmem>> -> memref<80xi32, #tpu.memory_space<vmem>>
        %dma_wait3A_184 = arith.constant 49920 : i32
        %dma_wait3A_185 = tpu.memref_slice %arg2[%dma_wait3A_184] : memref<50000xi32, #tpu.memory_space<hbm>> -> memref<80xi32, #tpu.memory_space<hbm>>
        %dma_wait3A_186 = arith.constant 1536 : i32
        %dma_wait3A_187 = tpu.memref_slice %arg5[%dma_wait3A_186] : memref<1664xi32, #tpu.memory_space<vmem>> -> memref<80xi32, #tpu.memory_space<vmem>>
        %dma_wait3A_188 = arith.constant 49920 : i32
        %dma_wait3A_189 = tpu.memref_slice %arg2[%dma_wait3A_188] : memref<50000xi32, #tpu.memory_space<hbm>> -> memref<80xi32, #tpu.memory_space<hbm>>
        tpu.wait_dma2 semaphore(%run_scoped3A : memref<!tpu.dma_semaphore, #tpu.memory_space<semaphore_mem>>) src(%dma_wait3A_189 : memref<80xi32, #tpu.memory_space<hbm>>) dst(%dma_wait3A_187 : memref<80xi32, #tpu.memory_space<vmem>>)
        tpu.yield
      }) : () -> ()
    } else {
    }
    %scan3A = arith.constant 0 : i32
    %scan3A_18 = arith.constant 0 : i32
    %scan3A_19 = arith.constant 104 : i32
    %scan3A_20 = arith.addi %scan3A_18, %scan3A_19 : i32
    %scan3A_21 = arith.constant 1 : i32
    %scan3A_22 = scf.for %scan3A_174 = %scan3A_18 to %scan3A_20 step %scan3A_21 iter_args(%scan3A_175 = %scan3A) -> (i32)  : i32 {
      %mul3A_176 = arith.constant 16 : i32
      %mul3A_177 = arith.muli %scan3A_174, %mul3A_176 : i32
      %get3A = arith.index_cast %mul3A_177 : i32 to index
      %get3A_178 = tpu.vector_load %arg5[%get3A] {strides = array<i32>} : memref<1664xi32, #tpu.memory_space<vmem>>, vector<16xi32>,
      %get3A_179 = vector.shape_cast %get3A_178 : vector<16xi32> to vector<16xi32>
      %mul3A_180 = arith.constant 32 : i32
      %mul3A_181 = vector.broadcast %mul3A_180 : i32 to vector<16xi32>
      %mul3A_182 = arith.muli %get3A_179, %mul3A_181 : vector<16xi32>
      %add3A_183 = vector.broadcast %add3A : i32 to vector<16xi32>
      %add3A_184 = arith.addi %mul3A_182, %add3A_183 : vector<16xi32>
      %swap3A = arith.index_cast %mul3A_177 : i32 to index
      %swap3A_185 = tpu.vector_load %arg5[%swap3A] {strides = array<i32>} : memref<1664xi32, #tpu.memory_space<vmem>>, vector<16xi32>,
      %swap3A_186 = vector.shape_cast %swap3A_185 : vector<16xi32> to vector<16xi32>
      %swap3A_187 = vector.shape_cast %add3A_184 : vector<16xi32> to vector<16xi32>
      tpu.vector_store %arg5[%swap3A], %swap3A_187 {strides = array<i32>} : memref<1664xi32, #tpu.memory_space<vmem>>, vector<16xi32>,
      %scan3A_188 = arith.constant 0 : i32
      scf.yield %scan3A_188 : i32
    }
    %scan3A_23 = arith.constant 104 : i32
    %dma_start3A = arith.constant 0 : i32
    %dma_start3A_24 = tpu.memref_slice %arg5[%dma_start3A] : memref<1664xi32, #tpu.memory_space<vmem>> -> memref<128xi32, #tpu.memory_space<vmem>>
    %dma_start3A_25 = arith.constant 0 : i32
    %dma_start3A_26 = arith.constant 0 : i32
    %dma_start3A_27 = tpu.memref_slice %arg3[%dma_start3A_25, %dma_start3A_26] : memref<3200x256xf32, #tpu.memory_space<hbm>> -> memref<3200x256xf32, #tpu.memory_space<hbm>>
    tpu.enqueue_indirect_dma source(%dma_start3A_27 : memref<3200x256xf32, #tpu.memory_space<hbm>>) target(%arg6 : memref<128x256xf32, #tpu.memory_space<vmem>>) offsets(%dma_start3A_24 : memref<128xi32, #tpu.memory_space<vmem>>) semaphore(%arg9 : memref<!tpu.dma_semaphore, #tpu.memory_space<semaphore_mem>>)
    %dma_start3A_28 = arith.constant 128 : i32
    %dma_start3A_29 = tpu.memref_slice %arg5[%dma_start3A_28] : memref<1664xi32, #tpu.memory_space<vmem>> -> memref<128xi32, #tpu.memory_space<vmem>>
    %dma_start3A_30 = arith.constant 0 : i32
    %dma_start3A_31 = arith.constant 0 : i32
    %dma_start3A_32 = tpu.memref_slice %arg3[%dma_start3A_30, %dma_start3A_31] : memref<3200x256xf32, #tpu.memory_space<hbm>> -> memref<3200x256xf32, #tpu.memory_space<hbm>>
    tpu.enqueue_indirect_dma source(%dma_start3A_32 : memref<3200x256xf32, #tpu.memory_space<hbm>>) target(%arg7 : memref<128x256xf32, #tpu.memory_space<vmem>>) offsets(%dma_start3A_29 : memref<128xi32, #tpu.memory_space<vmem>>) semaphore(%arg10 : memref<!tpu.dma_semaphore, #tpu.memory_space<semaphore_mem>>)
    %gt3A = arith.constant 2 : i32
    %gt3A_33 = arith.cmpi sgt, %add3A_4, %gt3A : i32
    %convert_element_type3A_34 = arith.extui %gt3A_33 : i1 to i32
    %cond3A_35 = arith.constant 0 : i32
    %cond3A_36 = arith.cmpi ne, %convert_element_type3A_34, %cond3A_35 : i32
    scf.if %cond3A_36 {
      %dma_start3A_174 = arith.constant 256 : i32
      %dma_start3A_175 = tpu.memref_slice %arg5[%dma_start3A_174] : memref<1664xi32, #tpu.memory_space<vmem>> -> memref<128xi32, #tpu.memory_space<vmem>>
      %dma_start3A_176 = arith.constant 0 : i32
      %dma_start3A_177 = arith.constant 0 : i32
      %dma_start3A_178 = tpu.memref_slice %arg3[%dma_start3A_176, %dma_start3A_177] : memref<3200x256xf32, #tpu.memory_space<hbm>> -> memref<3200x256xf32, #tpu.memory_space<hbm>>
      tpu.enqueue_indirect_dma source(%dma_start3A_178 : memref<3200x256xf32, #tpu.memory_space<hbm>>) target(%arg8 : memref<128x256xf32, #tpu.memory_space<vmem>>) offsets(%dma_start3A_175 : memref<128xi32, #tpu.memory_space<vmem>>) semaphore(%arg11 : memref<!tpu.dma_semaphore, #tpu.memory_space<semaphore_mem>>)
    } else {
    }
    %gt3A_37 = arith.constant 0 : i32
    %gt3A_38 = arith.cmpi sgt, %add3A_4, %gt3A_37 : i32
    %convert_element_type3A_39 = arith.extui %gt3A_38 : i1 to i32
    %cond3A_40 = arith.constant 0 : i32
    %cond3A_41 = arith.cmpi ne, %convert_element_type3A_39, %cond3A_40 : i32
    scf.if %cond3A_41 {
      %dma_wait3A_174 = arith.constant 0 : i32
      %dma_wait3A_175 = tpu.memref_slice %arg5[%dma_wait3A_174] : memref<1664xi32, #tpu.memory_space<vmem>> -> memref<128xi32, #tpu.memory_space<vmem>>
      %dma_wait3A_176 = arith.constant 0 : i32
      %dma_wait3A_177 = arith.constant 0 : i32
      %dma_wait3A_178 = tpu.memref_slice %arg3[%dma_wait3A_176, %dma_wait3A_177] : memref<3200x256xf32, #tpu.memory_space<hbm>> -> memref<3200x256xf32, #tpu.memory_space<hbm>>
      tpu.wait_indirect_dma semaphore(%arg9 : memref<!tpu.dma_semaphore, #tpu.memory_space<semaphore_mem>>) src(%dma_wait3A_178 : memref<3200x256xf32, #tpu.memory_space<hbm>>) dst(%arg6 : memref<128x256xf32, #tpu.memory_space<vmem>>)
      %add3A_179 = arith.constant 0 : i32
      %add3A_180 = arith.addi %mul3A_10, %add3A_179 : i32
      %dma_start3A_181 = arith.constant 0 : i32
      %dma_start3A_182 = tpu.memref_slice %arg4[%add3A_180, %dma_start3A_181] : memref<50000x256xf32, #tpu.memory_space<hbm>> -> memref<128x256xf32, #tpu.memory_space<hbm>>
      %dma_start3A_183 = arith.constant 0 : i32
      %dma_start3A_184 = tpu.memref_slice %arg4[%add3A_180, %dma_start3A_183] : memref<50000x256xf32, #tpu.memory_space<hbm>> -> memref<128x256xf32, #tpu.memory_space<hbm>>
      tpu.enqueue_dma source(%arg6 : memref<128x256xf32, #tpu.memory_space<vmem>>) target(%dma_start3A_184 : memref<128x256xf32, #tpu.memory_space<hbm>>) target_semaphore(%arg12 : memref<!tpu.dma_semaphore, #tpu.memory_space<semaphore_mem>>)
    } else {
    }
    %gt3A_42 = arith.constant 3 : i32
    %gt3A_43 = arith.cmpi sgt, %add3A_4, %gt3A_42 : i32
    %convert_element_type3A_44 = arith.extui %gt3A_43 : i1 to i32
    %cond3A_45 = arith.constant 0 : i32
    %cond3A_46 = arith.cmpi ne, %convert_element_type3A_44, %cond3A_45 : i32
    scf.if %cond3A_46 {
      %add3A_174 = arith.constant 0 : i32
      %add3A_175 = arith.addi %mul3A_10, %add3A_174 : i32
      %dma_wait3A_176 = arith.constant 0 : i32
      %dma_wait3A_177 = tpu.memref_slice %arg4[%add3A_175, %dma_wait3A_176] : memref<50000x256xf32, #tpu.memory_space<hbm>> -> memref<128x256xf32, #tpu.memory_space<hbm>>
      %dma_wait3A_178 = arith.constant 0 : i32
      %dma_wait3A_179 = tpu.memref_slice %arg4[%add3A_175, %dma_wait3A_178] : memref<50000x256xf32, #tpu.memory_space<hbm>> -> memref<128x256xf32, #tpu.memory_space<hbm>>
      tpu.wait_dma2 semaphore(%arg12 : memref<!tpu.dma_semaphore, #tpu.memory_space<semaphore_mem>>) src(%arg6 : memref<128x256xf32, #tpu.memory_space<vmem>>) dst(%dma_wait3A_179 : memref<128x256xf32, #tpu.memory_space<hbm>>)
      %dma_start3A_180 = arith.constant 384 : i32
      %dma_start3A_181 = tpu.memref_slice %arg5[%dma_start3A_180] : memref<1664xi32, #tpu.memory_space<vmem>> -> memref<128xi32, #tpu.memory_space<vmem>>
      %dma_start3A_182 = arith.constant 0 : i32
      %dma_start3A_183 = arith.constant 0 : i32
      %dma_start3A_184 = tpu.memref_slice %arg3[%dma_start3A_182, %dma_start3A_183] : memref<3200x256xf32, #tpu.memory_space<hbm>> -> memref<3200x256xf32, #tpu.memory_space<hbm>>
      tpu.enqueue_indirect_dma source(%dma_start3A_184 : memref<3200x256xf32, #tpu.memory_space<hbm>>) target(%arg6 : memref<128x256xf32, #tpu.memory_space<vmem>>) offsets(%dma_start3A_181 : memref<128xi32, #tpu.memory_space<vmem>>) semaphore(%arg9 : memref<!tpu.dma_semaphore, #tpu.memory_space<semaphore_mem>>)
    } else {
    }
    %gt3A_47 = arith.constant 1 : i32
    %gt3A_48 = arith.cmpi sgt, %add3A_4, %gt3A_47 : i32
    %convert_element_type3A_49 = arith.extui %gt3A_48 : i1 to i32
    %cond3A_50 = arith.constant 0 : i32
    %cond3A_51 = arith.cmpi ne, %convert_element_type3A_49, %cond3A_50 : i32
    scf.if %cond3A_51 {
      %dma_wait3A_174 = arith.constant 128 : i32
      %dma_wait3A_175 = tpu.memref_slice %arg5[%dma_wait3A_174] : memref<1664xi32, #tpu.memory_space<vmem>> -> memref<128xi32, #tpu.memory_space<vmem>>
      %dma_wait3A_176 = arith.constant 0 : i32
      %dma_wait3A_177 = arith.constant 0 : i32
      %dma_wait3A_178 = tpu.memref_slice %arg3[%dma_wait3A_176, %dma_wait3A_177] : memref<3200x256xf32, #tpu.memory_space<hbm>> -> memref<3200x256xf32, #tpu.memory_space<hbm>>
      tpu.wait_indirect_dma semaphore(%arg10 : memref<!tpu.dma_semaphore, #tpu.memory_space<semaphore_mem>>) src(%dma_wait3A_178 : memref<3200x256xf32, #tpu.memory_space<hbm>>) dst(%arg7 : memref<128x256xf32, #tpu.memory_space<vmem>>)
      %add3A_179 = arith.constant 128 : i32
      %add3A_180 = arith.addi %mul3A_10, %add3A_179 : i32
      %dma_start3A_181 = arith.constant 0 : i32
      %dma_start3A_182 = tpu.memref_slice %arg4[%add3A_180, %dma_start3A_181] : memref<50000x256xf32, #tpu.memory_space<hbm>> -> memref<128x256xf32, #tpu.memory_space<hbm>>
      %dma_start3A_183 = arith.constant 0 : i32
      %dma_start3A_184 = tpu.memref_slice %arg4[%add3A_180, %dma_start3A_183] : memref<50000x256xf32, #tpu.memory_space<hbm>> -> memref<128x256xf32, #tpu.memory_space<hbm>>
      tpu.enqueue_dma source(%arg7 : memref<128x256xf32, #tpu.memory_space<vmem>>) target(%dma_start3A_184 : memref<128x256xf32, #tpu.memory_space<hbm>>) target_semaphore(%arg13 : memref<!tpu.dma_semaphore, #tpu.memory_space<semaphore_mem>>)
    } else {
    }
    %gt3A_52 = arith.constant 4 : i32
    %gt3A_53 = arith.cmpi sgt, %add3A_4, %gt3A_52 : i32
    %convert_element_type3A_54 = arith.extui %gt3A_53 : i1 to i32
    %cond3A_55 = arith.constant 0 : i32
    %cond3A_56 = arith.cmpi ne, %convert_element_type3A_54, %cond3A_55 : i32
    scf.if %cond3A_56 {
      %add3A_174 = arith.constant 128 : i32
      %add3A_175 = arith.addi %mul3A_10, %add3A_174 : i32
      %dma_wait3A_176 = arith.constant 0 : i32
      %dma_wait3A_177 = tpu.memref_slice %arg4[%add3A_175, %dma_wait3A_176] : memref<50000x256xf32, #tpu.memory_space<hbm>> -> memref<128x256xf32, #tpu.memory_space<hbm>>
      %dma_wait3A_178 = arith.constant 0 : i32
      %dma_wait3A_179 = tpu.memref_slice %arg4[%add3A_175, %dma_wait3A_178] : memref<50000x256xf32, #tpu.memory_space<hbm>> -> memref<128x256xf32, #tpu.memory_space<hbm>>
      tpu.wait_dma2 semaphore(%arg13 : memref<!tpu.dma_semaphore, #tpu.memory_space<semaphore_mem>>) src(%arg7 : memref<128x256xf32, #tpu.memory_space<vmem>>) dst(%dma_wait3A_179 : memref<128x256xf32, #tpu.memory_space<hbm>>)
      %dma_start3A_180 = arith.constant 512 : i32
      %dma_start3A_181 = tpu.memref_slice %arg5[%dma_start3A_180] : memref<1664xi32, #tpu.memory_space<vmem>> -> memref<128xi32, #tpu.memory_space<vmem>>
      %dma_start3A_182 = arith.constant 0 : i32
      %dma_start3A_183 = arith.constant 0 : i32
      %dma_start3A_184 = tpu.memref_slice %arg3[%dma_start3A_182, %dma_start3A_183] : memref<3200x256xf32, #tpu.memory_space<hbm>> -> memref<3200x256xf32, #tpu.memory_space<hbm>>
      tpu.enqueue_indirect_dma source(%dma_start3A_184 : memref<3200x256xf32, #tpu.memory_space<hbm>>) target(%arg7 : memref<128x256xf32, #tpu.memory_space<vmem>>) offsets(%dma_start3A_181 : memref<128xi32, #tpu.memory_space<vmem>>) semaphore(%arg10 : memref<!tpu.dma_semaphore, #tpu.memory_space<semaphore_mem>>)
    } else {
    }
    %gt3A_57 = arith.constant 2 : i32
    %gt3A_58 = arith.cmpi sgt, %add3A_4, %gt3A_57 : i32
    %convert_element_type3A_59 = arith.extui %gt3A_58 : i1 to i32
    %cond3A_60 = arith.constant 0 : i32
    %cond3A_61 = arith.cmpi ne, %convert_element_type3A_59, %cond3A_60 : i32
    scf.if %cond3A_61 {
      %dma_wait3A_174 = arith.constant 256 : i32
      %dma_wait3A_175 = tpu.memref_slice %arg5[%dma_wait3A_174] : memref<1664xi32, #tpu.memory_space<vmem>> -> memref<128xi32, #tpu.memory_space<vmem>>
      %dma_wait3A_176 = arith.constant 0 : i32
      %dma_wait3A_177 = arith.constant 0 : i32
      %dma_wait3A_178 = tpu.memref_slice %arg3[%dma_wait3A_176, %dma_wait3A_177] : memref<3200x256xf32, #tpu.memory_space<hbm>> -> memref<3200x256xf32, #tpu.memory_space<hbm>>
      tpu.wait_indirect_dma semaphore(%arg11 : memref<!tpu.dma_semaphore, #tpu.memory_space<semaphore_mem>>) src(%dma_wait3A_178 : memref<3200x256xf32, #tpu.memory_space<hbm>>) dst(%arg8 : memref<128x256xf32, #tpu.memory_space<vmem>>)
      %add3A_179 = arith.constant 256 : i32
      %add3A_180 = arith.addi %mul3A_10, %add3A_179 : i32
      %dma_start3A_181 = arith.constant 0 : i32
      %dma_start3A_182 = tpu.memref_slice %arg4[%add3A_180, %dma_start3A_181] : memref<50000x256xf32, #tpu.memory_space<hbm>> -> memref<128x256xf32, #tpu.memory_space<hbm>>
      %dma_start3A_183 = arith.constant 0 : i32
      %dma_start3A_184 = tpu.memref_slice %arg4[%add3A_180, %dma_start3A_183] : memref<50000x256xf32, #tpu.memory_space<hbm>> -> memref<128x256xf32, #tpu.memory_space<hbm>>
      tpu.enqueue_dma source(%arg8 : memref<128x256xf32, #tpu.memory_space<vmem>>) target(%dma_start3A_184 : memref<128x256xf32, #tpu.memory_space<hbm>>) target_semaphore(%arg14 : memref<!tpu.dma_semaphore, #tpu.memory_space<semaphore_mem>>)
    } else {
    }
    %gt3A_62 = arith.constant 5 : i32
    %gt3A_63 = arith.cmpi sgt, %add3A_4, %gt3A_62 : i32
    %convert_element_type3A_64 = arith.extui %gt3A_63 : i1 to i32
    %cond3A_65 = arith.constant 0 : i32
    %cond3A_66 = arith.cmpi ne, %convert_element_type3A_64, %cond3A_65 : i32
    scf.if %cond3A_66 {
      %add3A_174 = arith.constant 256 : i32
      %add3A_175 = arith.addi %mul3A_10, %add3A_174 : i32
      %dma_wait3A_176 = arith.constant 0 : i32
      %dma_wait3A_177 = tpu.memref_slice %arg4[%add3A_175, %dma_wait3A_176] : memref<50000x256xf32, #tpu.memory_space<hbm>> -> memref<128x256xf32, #tpu.memory_space<hbm>>
      %dma_wait3A_178 = arith.constant 0 : i32
      %dma_wait3A_179 = tpu.memref_slice %arg4[%add3A_175, %dma_wait3A_178] : memref<50000x256xf32, #tpu.memory_space<hbm>> -> memref<128x256xf32, #tpu.memory_space<hbm>>
      tpu.wait_dma2 semaphore(%arg14 : memref<!tpu.dma_semaphore, #tpu.memory_space<semaphore_mem>>) src(%arg8 : memref<128x256xf32, #tpu.memory_space<vmem>>) dst(%dma_wait3A_179 : memref<128x256xf32, #tpu.memory_space<hbm>>)
      %dma_start3A_180 = arith.constant 640 : i32
      %dma_start3A_181 = tpu.memref_slice %arg5[%dma_start3A_180] : memref<1664xi32, #tpu.memory_space<vmem>> -> memref<128xi32, #tpu.memory_space<vmem>>
      %dma_start3A_182 = arith.constant 0 : i32
      %dma_start3A_183 = arith.constant 0 : i32
      %dma_start3A_184 = tpu.memref_slice %arg3[%dma_start3A_182, %dma_start3A_183] : memref<3200x256xf32, #tpu.memory_space<hbm>> -> memref<3200x256xf32, #tpu.memory_space<hbm>>
      tpu.enqueue_indirect_dma source(%dma_start3A_184 : memref<3200x256xf32, #tpu.memory_space<hbm>>) target(%arg8 : memref<128x256xf32, #tpu.memory_space<vmem>>) offsets(%dma_start3A_181 : memref<128xi32, #tpu.memory_space<vmem>>) semaphore(%arg11 : memref<!tpu.dma_semaphore, #tpu.memory_space<semaphore_mem>>)
    } else {
    }
    %gt3A_67 = arith.constant 3 : i32
    %gt3A_68 = arith.cmpi sgt, %add3A_4, %gt3A_67 : i32
    %convert_element_type3A_69 = arith.extui %gt3A_68 : i1 to i32
    %cond3A_70 = arith.constant 0 : i32
    %cond3A_71 = arith.cmpi ne, %convert_element_type3A_69, %cond3A_70 : i32
    scf.if %cond3A_71 {
      %dma_wait3A_174 = arith.constant 384 : i32
      %dma_wait3A_175 = tpu.memref_slice %arg5[%dma_wait3A_174] : memref<1664xi32, #tpu.memory_space<vmem>> -> memref<128xi32, #tpu.memory_space<vmem>>
      %dma_wait3A_176 = arith.constant 0 : i32
      %dma_wait3A_177 = arith.constant 0 : i32
      %dma_wait3A_178 = tpu.memref_slice %arg3[%dma_wait3A_176, %dma_wait3A_177] : memref<3200x256xf32, #tpu.memory_space<hbm>> -> memref<3200x256xf32, #tpu.memory_space<hbm>>
      tpu.wait_indirect_dma semaphore(%arg9 : memref<!tpu.dma_semaphore, #tpu.memory_space<semaphore_mem>>) src(%dma_wait3A_178 : memref<3200x256xf32, #tpu.memory_space<hbm>>) dst(%arg6 : memref<128x256xf32, #tpu.memory_space<vmem>>)
      %add3A_179 = arith.constant 384 : i32
      %add3A_180 = arith.addi %mul3A_10, %add3A_179 : i32
      %dma_start3A_181 = arith.constant 0 : i32
      %dma_start3A_182 = tpu.memref_slice %arg4[%add3A_180, %dma_start3A_181] : memref<50000x256xf32, #tpu.memory_space<hbm>> -> memref<128x256xf32, #tpu.memory_space<hbm>>
      %dma_start3A_183 = arith.constant 0 : i32
      %dma_start3A_184 = tpu.memref_slice %arg4[%add3A_180, %dma_start3A_183] : memref<50000x256xf32, #tpu.memory_space<hbm>> -> memref<128x256xf32, #tpu.memory_space<hbm>>
      tpu.enqueue_dma source(%arg6 : memref<128x256xf32, #tpu.memory_space<vmem>>) target(%dma_start3A_184 : memref<128x256xf32, #tpu.memory_space<hbm>>) target_semaphore(%arg12 : memref<!tpu.dma_semaphore, #tpu.memory_space<semaphore_mem>>)
    } else {
    }
    %gt3A_72 = arith.constant 6 : i32
    %gt3A_73 = arith.cmpi sgt, %add3A_4, %gt3A_72 : i32
    %convert_element_type3A_74 = arith.extui %gt3A_73 : i1 to i32
    %cond3A_75 = arith.constant 0 : i32
    %cond3A_76 = arith.cmpi ne, %convert_element_type3A_74, %cond3A_75 : i32
    scf.if %cond3A_76 {
      %add3A_174 = arith.constant 384 : i32
      %add3A_175 = arith.addi %mul3A_10, %add3A_174 : i32
      %dma_wait3A_176 = arith.constant 0 : i32
      %dma_wait3A_177 = tpu.memref_slice %arg4[%add3A_175, %dma_wait3A_176] : memref<50000x256xf32, #tpu.memory_space<hbm>> -> memref<128x256xf32, #tpu.memory_space<hbm>>
      %dma_wait3A_178 = arith.constant 0 : i32
      %dma_wait3A_179 = tpu.memref_slice %arg4[%add3A_175, %dma_wait3A_178] : memref<50000x256xf32, #tpu.memory_space<hbm>> -> memref<128x256xf32, #tpu.memory_space<hbm>>
      tpu.wait_dma2 semaphore(%arg12 : memref<!tpu.dma_semaphore, #tpu.memory_space<semaphore_mem>>) src(%arg6 : memref<128x256xf32, #tpu.memory_space<vmem>>) dst(%dma_wait3A_179 : memref<128x256xf32, #tpu.memory_space<hbm>>)
      %dma_start3A_180 = arith.constant 768 : i32
      %dma_start3A_181 = tpu.memref_slice %arg5[%dma_start3A_180] : memref<1664xi32, #tpu.memory_space<vmem>> -> memref<128xi32, #tpu.memory_space<vmem>>
      %dma_start3A_182 = arith.constant 0 : i32
      %dma_start3A_183 = arith.constant 0 : i32
      %dma_start3A_184 = tpu.memref_slice %arg3[%dma_start3A_182, %dma_start3A_183] : memref<3200x256xf32, #tpu.memory_space<hbm>> -> memref<3200x256xf32, #tpu.memory_space<hbm>>
      tpu.enqueue_indirect_dma source(%dma_start3A_184 : memref<3200x256xf32, #tpu.memory_space<hbm>>) target(%arg6 : memref<128x256xf32, #tpu.memory_space<vmem>>) offsets(%dma_start3A_181 : memref<128xi32, #tpu.memory_space<vmem>>) semaphore(%arg9 : memref<!tpu.dma_semaphore, #tpu.memory_space<semaphore_mem>>)
    } else {
    }
    %gt3A_77 = arith.constant 4 : i32
    %gt3A_78 = arith.cmpi sgt, %add3A_4, %gt3A_77 : i32
    %convert_element_type3A_79 = arith.extui %gt3A_78 : i1 to i32
    %cond3A_80 = arith.constant 0 : i32
    %cond3A_81 = arith.cmpi ne, %convert_element_type3A_79, %cond3A_80 : i32
    scf.if %cond3A_81 {
      %dma_wait3A_174 = arith.constant 512 : i32
      %dma_wait3A_175 = tpu.memref_slice %arg5[%dma_wait3A_174] : memref<1664xi32, #tpu.memory_space<vmem>> -> memref<128xi32, #tpu.memory_space<vmem>>
      %dma_wait3A_176 = arith.constant 0 : i32
      %dma_wait3A_177 = arith.constant 0 : i32
      %dma_wait3A_178 = tpu.memref_slice %arg3[%dma_wait3A_176, %dma_wait3A_177] : memref<3200x256xf32, #tpu.memory_space<hbm>> -> memref<3200x256xf32, #tpu.memory_space<hbm>>
      tpu.wait_indirect_dma semaphore(%arg10 : memref<!tpu.dma_semaphore, #tpu.memory_space<semaphore_mem>>) src(%dma_wait3A_178 : memref<3200x256xf32, #tpu.memory_space<hbm>>) dst(%arg7 : memref<128x256xf32, #tpu.memory_space<vmem>>)
      %add3A_179 = arith.constant 512 : i32
      %add3A_180 = arith.addi %mul3A_10, %add3A_179 : i32
      %dma_start3A_181 = arith.constant 0 : i32
      %dma_start3A_182 = tpu.memref_slice %arg4[%add3A_180, %dma_start3A_181] : memref<50000x256xf32, #tpu.memory_space<hbm>> -> memref<128x256xf32, #tpu.memory_space<hbm>>
      %dma_start3A_183 = arith.constant 0 : i32
      %dma_start3A_184 = tpu.memref_slice %arg4[%add3A_180, %dma_start3A_183] : memref<50000x256xf32, #tpu.memory_space<hbm>> -> memref<128x256xf32, #tpu.memory_space<hbm>>
      tpu.enqueue_dma source(%arg7 : memref<128x256xf32, #tpu.memory_space<vmem>>) target(%dma_start3A_184 : memref<128x256xf32, #tpu.memory_space<hbm>>) target_semaphore(%arg13 : memref<!tpu.dma_semaphore, #tpu.memory_space<semaphore_mem>>)
    } else {
    }
    %gt3A_82 = arith.constant 7 : i32
    %gt3A_83 = arith.cmpi sgt, %add3A_4, %gt3A_82 : i32
    %convert_element_type3A_84 = arith.extui %gt3A_83 : i1 to i32
    %cond3A_85 = arith.constant 0 : i32
    %cond3A_86 = arith.cmpi ne, %convert_element_type3A_84, %cond3A_85 : i32
    scf.if %cond3A_86 {
      %add3A_174 = arith.constant 512 : i32
      %add3A_175 = arith.addi %mul3A_10, %add3A_174 : i32
      %dma_wait3A_176 = arith.constant 0 : i32
      %dma_wait3A_177 = tpu.memref_slice %arg4[%add3A_175, %dma_wait3A_176] : memref<50000x256xf32, #tpu.memory_space<hbm>> -> memref<128x256xf32, #tpu.memory_space<hbm>>
      %dma_wait3A_178 = arith.constant 0 : i32
      %dma_wait3A_179 = tpu.memref_slice %arg4[%add3A_175, %dma_wait3A_178] : memref<50000x256xf32, #tpu.memory_space<hbm>> -> memref<128x256xf32, #tpu.memory_space<hbm>>
      tpu.wait_dma2 semaphore(%arg13 : memref<!tpu.dma_semaphore, #tpu.memory_space<semaphore_mem>>) src(%arg7 : memref<128x256xf32, #tpu.memory_space<vmem>>) dst(%dma_wait3A_179 : memref<128x256xf32, #tpu.memory_space<hbm>>)
      %dma_start3A_180 = arith.constant 896 : i32
      %dma_start3A_181 = tpu.memref_slice %arg5[%dma_start3A_180] : memref<1664xi32, #tpu.memory_space<vmem>> -> memref<128xi32, #tpu.memory_space<vmem>>
      %dma_start3A_182 = arith.constant 0 : i32
      %dma_start3A_183 = arith.constant 0 : i32
      %dma_start3A_184 = tpu.memref_slice %arg3[%dma_start3A_182, %dma_start3A_183] : memref<3200x256xf32, #tpu.memory_space<hbm>> -> memref<3200x256xf32, #tpu.memory_space<hbm>>
      tpu.enqueue_indirect_dma source(%dma_start3A_184 : memref<3200x256xf32, #tpu.memory_space<hbm>>) target(%arg7 : memref<128x256xf32, #tpu.memory_space<vmem>>) offsets(%dma_start3A_181 : memref<128xi32, #tpu.memory_space<vmem>>) semaphore(%arg10 : memref<!tpu.dma_semaphore, #tpu.memory_space<semaphore_mem>>)
    } else {
    }
    %gt3A_87 = arith.constant 5 : i32
    %gt3A_88 = arith.cmpi sgt, %add3A_4, %gt3A_87 : i32
    %convert_element_type3A_89 = arith.extui %gt3A_88 : i1 to i32
    %cond3A_90 = arith.constant 0 : i32
    %cond3A_91 = arith.cmpi ne, %convert_element_type3A_89, %cond3A_90 : i32
    scf.if %cond3A_91 {
      %dma_wait3A_174 = arith.constant 640 : i32
      %dma_wait3A_175 = tpu.memref_slice %arg5[%dma_wait3A_174] : memref<1664xi32, #tpu.memory_space<vmem>> -> memref<128xi32, #tpu.memory_space<vmem>>
      %dma_wait3A_176 = arith.constant 0 : i32
      %dma_wait3A_177 = arith.constant 0 : i32
      %dma_wait3A_178 = tpu.memref_slice %arg3[%dma_wait3A_176, %dma_wait3A_177] : memref<3200x256xf32, #tpu.memory_space<hbm>> -> memref<3200x256xf32, #tpu.memory_space<hbm>>
      tpu.wait_indirect_dma semaphore(%arg11 : memref<!tpu.dma_semaphore, #tpu.memory_space<semaphore_mem>>) src(%dma_wait3A_178 : memref<3200x256xf32, #tpu.memory_space<hbm>>) dst(%arg8 : memref<128x256xf32, #tpu.memory_space<vmem>>)
      %add3A_179 = arith.constant 640 : i32
      %add3A_180 = arith.addi %mul3A_10, %add3A_179 : i32
      %dma_start3A_181 = arith.constant 0 : i32
      %dma_start3A_182 = tpu.memref_slice %arg4[%add3A_180, %dma_start3A_181] : memref<50000x256xf32, #tpu.memory_space<hbm>> -> memref<128x256xf32, #tpu.memory_space<hbm>>
      %dma_start3A_183 = arith.constant 0 : i32
      %dma_start3A_184 = tpu.memref_slice %arg4[%add3A_180, %dma_start3A_183] : memref<50000x256xf32, #tpu.memory_space<hbm>> -> memref<128x256xf32, #tpu.memory_space<hbm>>
      tpu.enqueue_dma source(%arg8 : memref<128x256xf32, #tpu.memory_space<vmem>>) target(%dma_start3A_184 : memref<128x256xf32, #tpu.memory_space<hbm>>) target_semaphore(%arg14 : memref<!tpu.dma_semaphore, #tpu.memory_space<semaphore_mem>>)
    } else {
    }
    %gt3A_92 = arith.constant 8 : i32
    %gt3A_93 = arith.cmpi sgt, %add3A_4, %gt3A_92 : i32
    %convert_element_type3A_94 = arith.extui %gt3A_93 : i1 to i32
    %cond3A_95 = arith.constant 0 : i32
    %cond3A_96 = arith.cmpi ne, %convert_element_type3A_94, %cond3A_95 : i32
    scf.if %cond3A_96 {
      %add3A_174 = arith.constant 640 : i32
      %add3A_175 = arith.addi %mul3A_10, %add3A_174 : i32
      %dma_wait3A_176 = arith.constant 0 : i32
      %dma_wait3A_177 = tpu.memref_slice %arg4[%add3A_175, %dma_wait3A_176] : memref<50000x256xf32, #tpu.memory_space<hbm>> -> memref<128x256xf32, #tpu.memory_space<hbm>>
      %dma_wait3A_178 = arith.constant 0 : i32
      %dma_wait3A_179 = tpu.memref_slice %arg4[%add3A_175, %dma_wait3A_178] : memref<50000x256xf32, #tpu.memory_space<hbm>> -> memref<128x256xf32, #tpu.memory_space<hbm>>
      tpu.wait_dma2 semaphore(%arg14 : memref<!tpu.dma_semaphore, #tpu.memory_space<semaphore_mem>>) src(%arg8 : memref<128x256xf32, #tpu.memory_space<vmem>>) dst(%dma_wait3A_179 : memref<128x256xf32, #tpu.memory_space<hbm>>)
      %dma_start3A_180 = arith.constant 1024 : i32
      %dma_start3A_181 = tpu.memref_slice %arg5[%dma_start3A_180] : memref<1664xi32, #tpu.memory_space<vmem>> -> memref<128xi32, #tpu.memory_space<vmem>>
      %dma_start3A_182 = arith.constant 0 : i32
      %dma_start3A_183 = arith.constant 0 : i32
      %dma_start3A_184 = tpu.memref_slice %arg3[%dma_start3A_182, %dma_start3A_183] : memref<3200x256xf32, #tpu.memory_space<hbm>> -> memref<3200x256xf32, #tpu.memory_space<hbm>>
      tpu.enqueue_indirect_dma source(%dma_start3A_184 : memref<3200x256xf32, #tpu.memory_space<hbm>>) target(%arg8 : memref<128x256xf32, #tpu.memory_space<vmem>>) offsets(%dma_start3A_181 : memref<128xi32, #tpu.memory_space<vmem>>) semaphore(%arg11 : memref<!tpu.dma_semaphore, #tpu.memory_space<semaphore_mem>>)
    } else {
    }
    %gt3A_97 = arith.constant 6 : i32
    %gt3A_98 = arith.cmpi sgt, %add3A_4, %gt3A_97 : i32
    %convert_element_type3A_99 = arith.extui %gt3A_98 : i1 to i32
    %cond3A_100 = arith.constant 0 : i32
    %cond3A_101 = arith.cmpi ne, %convert_element_type3A_99, %cond3A_100 : i32
    scf.if %cond3A_101 {
      %dma_wait3A_174 = arith.constant 768 : i32
      %dma_wait3A_175 = tpu.memref_slice %arg5[%dma_wait3A_174] : memref<1664xi32, #tpu.memory_space<vmem>> -> memref<128xi32, #tpu.memory_space<vmem>>
      %dma_wait3A_176 = arith.constant 0 : i32
      %dma_wait3A_177 = arith.constant 0 : i32
      %dma_wait3A_178 = tpu.memref_slice %arg3[%dma_wait3A_176, %dma_wait3A_177] : memref<3200x256xf32, #tpu.memory_space<hbm>> -> memref<3200x256xf32, #tpu.memory_space<hbm>>
      tpu.wait_indirect_dma semaphore(%arg9 : memref<!tpu.dma_semaphore, #tpu.memory_space<semaphore_mem>>) src(%dma_wait3A_178 : memref<3200x256xf32, #tpu.memory_space<hbm>>) dst(%arg6 : memref<128x256xf32, #tpu.memory_space<vmem>>)
      %add3A_179 = arith.constant 768 : i32
      %add3A_180 = arith.addi %mul3A_10, %add3A_179 : i32
      %dma_start3A_181 = arith.constant 0 : i32
      %dma_start3A_182 = tpu.memref_slice %arg4[%add3A_180, %dma_start3A_181] : memref<50000x256xf32, #tpu.memory_space<hbm>> -> memref<128x256xf32, #tpu.memory_space<hbm>>
      %dma_start3A_183 = arith.constant 0 : i32
      %dma_start3A_184 = tpu.memref_slice %arg4[%add3A_180, %dma_start3A_183] : memref<50000x256xf32, #tpu.memory_space<hbm>> -> memref<128x256xf32, #tpu.memory_space<hbm>>
      tpu.enqueue_dma source(%arg6 : memref<128x256xf32, #tpu.memory_space<vmem>>) target(%dma_start3A_184 : memref<128x256xf32, #tpu.memory_space<hbm>>) target_semaphore(%arg12 : memref<!tpu.dma_semaphore, #tpu.memory_space<semaphore_mem>>)
    } else {
    }
    %gt3A_102 = arith.constant 9 : i32
    %gt3A_103 = arith.cmpi sgt, %add3A_4, %gt3A_102 : i32
    %convert_element_type3A_104 = arith.extui %gt3A_103 : i1 to i32
    %cond3A_105 = arith.constant 0 : i32
    %cond3A_106 = arith.cmpi ne, %convert_element_type3A_104, %cond3A_105 : i32
    scf.if %cond3A_106 {
      %add3A_174 = arith.constant 768 : i32
      %add3A_175 = arith.addi %mul3A_10, %add3A_174 : i32
      %dma_wait3A_176 = arith.constant 0 : i32
      %dma_wait3A_177 = tpu.memref_slice %arg4[%add3A_175, %dma_wait3A_176] : memref<50000x256xf32, #tpu.memory_space<hbm>> -> memref<128x256xf32, #tpu.memory_space<hbm>>
      %dma_wait3A_178 = arith.constant 0 : i32
      %dma_wait3A_179 = tpu.memref_slice %arg4[%add3A_175, %dma_wait3A_178] : memref<50000x256xf32, #tpu.memory_space<hbm>> -> memref<128x256xf32, #tpu.memory_space<hbm>>
      tpu.wait_dma2 semaphore(%arg12 : memref<!tpu.dma_semaphore, #tpu.memory_space<semaphore_mem>>) src(%arg6 : memref<128x256xf32, #tpu.memory_space<vmem>>) dst(%dma_wait3A_179 : memref<128x256xf32, #tpu.memory_space<hbm>>)
      %dma_start3A_180 = arith.constant 1152 : i32
      %dma_start3A_181 = tpu.memref_slice %arg5[%dma_start3A_180] : memref<1664xi32, #tpu.memory_space<vmem>> -> memref<128xi32, #tpu.memory_space<vmem>>
      %dma_start3A_182 = arith.constant 0 : i32
      %dma_start3A_183 = arith.constant 0 : i32
      %dma_start3A_184 = tpu.memref_slice %arg3[%dma_start3A_182, %dma_start3A_183] : memref<3200x256xf32, #tpu.memory_space<hbm>> -> memref<3200x256xf32, #tpu.memory_space<hbm>>
      tpu.enqueue_indirect_dma source(%dma_start3A_184 : memref<3200x256xf32, #tpu.memory_space<hbm>>) target(%arg6 : memref<128x256xf32, #tpu.memory_space<vmem>>) offsets(%dma_start3A_181 : memref<128xi32, #tpu.memory_space<vmem>>) semaphore(%arg9 : memref<!tpu.dma_semaphore, #tpu.memory_space<semaphore_mem>>)
    } else {
    }
    %gt3A_107 = arith.constant 7 : i32
    %gt3A_108 = arith.cmpi sgt, %add3A_4, %gt3A_107 : i32
    %convert_element_type3A_109 = arith.extui %gt3A_108 : i1 to i32
    %cond3A_110 = arith.constant 0 : i32
    %cond3A_111 = arith.cmpi ne, %convert_element_type3A_109, %cond3A_110 : i32
    scf.if %cond3A_111 {
      %dma_wait3A_174 = arith.constant 896 : i32
      %dma_wait3A_175 = tpu.memref_slice %arg5[%dma_wait3A_174] : memref<1664xi32, #tpu.memory_space<vmem>> -> memref<128xi32, #tpu.memory_space<vmem>>
      %dma_wait3A_176 = arith.constant 0 : i32
      %dma_wait3A_177 = arith.constant 0 : i32
      %dma_wait3A_178 = tpu.memref_slice %arg3[%dma_wait3A_176, %dma_wait3A_177] : memref<3200x256xf32, #tpu.memory_space<hbm>> -> memref<3200x256xf32, #tpu.memory_space<hbm>>
      tpu.wait_indirect_dma semaphore(%arg10 : memref<!tpu.dma_semaphore, #tpu.memory_space<semaphore_mem>>) src(%dma_wait3A_178 : memref<3200x256xf32, #tpu.memory_space<hbm>>) dst(%arg7 : memref<128x256xf32, #tpu.memory_space<vmem>>)
      %add3A_179 = arith.constant 896 : i32
      %add3A_180 = arith.addi %mul3A_10, %add3A_179 : i32
      %dma_start3A_181 = arith.constant 0 : i32
      %dma_start3A_182 = tpu.memref_slice %arg4[%add3A_180, %dma_start3A_181] : memref<50000x256xf32, #tpu.memory_space<hbm>> -> memref<128x256xf32, #tpu.memory_space<hbm>>
      %dma_start3A_183 = arith.constant 0 : i32
      %dma_start3A_184 = tpu.memref_slice %arg4[%add3A_180, %dma_start3A_183] : memref<50000x256xf32, #tpu.memory_space<hbm>> -> memref<128x256xf32, #tpu.memory_space<hbm>>
      tpu.enqueue_dma source(%arg7 : memref<128x256xf32, #tpu.memory_space<vmem>>) target(%dma_start3A_184 : memref<128x256xf32, #tpu.memory_space<hbm>>) target_semaphore(%arg13 : memref<!tpu.dma_semaphore, #tpu.memory_space<semaphore_mem>>)
    } else {
    }
    %gt3A_112 = arith.constant 10 : i32
    %gt3A_113 = arith.cmpi sgt, %add3A_4, %gt3A_112 : i32
    %convert_element_type3A_114 = arith.extui %gt3A_113 : i1 to i32
    %cond3A_115 = arith.constant 0 : i32
    %cond3A_116 = arith.cmpi ne, %convert_element_type3A_114, %cond3A_115 : i32
    scf.if %cond3A_116 {
      %add3A_174 = arith.constant 896 : i32
      %add3A_175 = arith.addi %mul3A_10, %add3A_174 : i32
      %dma_wait3A_176 = arith.constant 0 : i32
      %dma_wait3A_177 = tpu.memref_slice %arg4[%add3A_175, %dma_wait3A_176] : memref<50000x256xf32, #tpu.memory_space<hbm>> -> memref<128x256xf32, #tpu.memory_space<hbm>>
      %dma_wait3A_178 = arith.constant 0 : i32
      %dma_wait3A_179 = tpu.memref_slice %arg4[%add3A_175, %dma_wait3A_178] : memref<50000x256xf32, #tpu.memory_space<hbm>> -> memref<128x256xf32, #tpu.memory_space<hbm>>
      tpu.wait_dma2 semaphore(%arg13 : memref<!tpu.dma_semaphore, #tpu.memory_space<semaphore_mem>>) src(%arg7 : memref<128x256xf32, #tpu.memory_space<vmem>>) dst(%dma_wait3A_179 : memref<128x256xf32, #tpu.memory_space<hbm>>)
      %dma_start3A_180 = arith.constant 1280 : i32
      %dma_start3A_181 = tpu.memref_slice %arg5[%dma_start3A_180] : memref<1664xi32, #tpu.memory_space<vmem>> -> memref<128xi32, #tpu.memory_space<vmem>>
      %dma_start3A_182 = arith.constant 0 : i32
      %dma_start3A_183 = arith.constant 0 : i32
      %dma_start3A_184 = tpu.memref_slice %arg3[%dma_start3A_182, %dma_start3A_183] : memref<3200x256xf32, #tpu.memory_space<hbm>> -> memref<3200x256xf32, #tpu.memory_space<hbm>>
      tpu.enqueue_indirect_dma source(%dma_start3A_184 : memref<3200x256xf32, #tpu.memory_space<hbm>>) target(%arg7 : memref<128x256xf32, #tpu.memory_space<vmem>>) offsets(%dma_start3A_181 : memref<128xi32, #tpu.memory_space<vmem>>) semaphore(%arg10 : memref<!tpu.dma_semaphore, #tpu.memory_space<semaphore_mem>>)
    } else {
    }
    %gt3A_117 = arith.constant 8 : i32
    %gt3A_118 = arith.cmpi sgt, %add3A_4, %gt3A_117 : i32
    %convert_element_type3A_119 = arith.extui %gt3A_118 : i1 to i32
    %cond3A_120 = arith.constant 0 : i32
    %cond3A_121 = arith.cmpi ne, %convert_element_type3A_119, %cond3A_120 : i32
    scf.if %cond3A_121 {
      %dma_wait3A_174 = arith.constant 1024 : i32
      %dma_wait3A_175 = tpu.memref_slice %arg5[%dma_wait3A_174] : memref<1664xi32, #tpu.memory_space<vmem>> -> memref<128xi32, #tpu.memory_space<vmem>>
      %dma_wait3A_176 = arith.constant 0 : i32
      %dma_wait3A_177 = arith.constant 0 : i32
      %dma_wait3A_178 = tpu.memref_slice %arg3[%dma_wait3A_176, %dma_wait3A_177] : memref<3200x256xf32, #tpu.memory_space<hbm>> -> memref<3200x256xf32, #tpu.memory_space<hbm>>
      tpu.wait_indirect_dma semaphore(%arg11 : memref<!tpu.dma_semaphore, #tpu.memory_space<semaphore_mem>>) src(%dma_wait3A_178 : memref<3200x256xf32, #tpu.memory_space<hbm>>) dst(%arg8 : memref<128x256xf32, #tpu.memory_space<vmem>>)
      %add3A_179 = arith.constant 1024 : i32
      %add3A_180 = arith.addi %mul3A_10, %add3A_179 : i32
      %dma_start3A_181 = arith.constant 0 : i32
      %dma_start3A_182 = tpu.memref_slice %arg4[%add3A_180, %dma_start3A_181] : memref<50000x256xf32, #tpu.memory_space<hbm>> -> memref<128x256xf32, #tpu.memory_space<hbm>>
      %dma_start3A_183 = arith.constant 0 : i32
      %dma_start3A_184 = tpu.memref_slice %arg4[%add3A_180, %dma_start3A_183] : memref<50000x256xf32, #tpu.memory_space<hbm>> -> memref<128x256xf32, #tpu.memory_space<hbm>>
      tpu.enqueue_dma source(%arg8 : memref<128x256xf32, #tpu.memory_space<vmem>>) target(%dma_start3A_184 : memref<128x256xf32, #tpu.memory_space<hbm>>) target_semaphore(%arg14 : memref<!tpu.dma_semaphore, #tpu.memory_space<semaphore_mem>>)
    } else {
    }
    %gt3A_122 = arith.constant 11 : i32
    %gt3A_123 = arith.cmpi sgt, %add3A_4, %gt3A_122 : i32
    %convert_element_type3A_124 = arith.extui %gt3A_123 : i1 to i32
    %cond3A_125 = arith.constant 0 : i32
    %cond3A_126 = arith.cmpi ne, %convert_element_type3A_124, %cond3A_125 : i32
    scf.if %cond3A_126 {
      %add3A_174 = arith.constant 1024 : i32
      %add3A_175 = arith.addi %mul3A_10, %add3A_174 : i32
      %dma_wait3A_176 = arith.constant 0 : i32
      %dma_wait3A_177 = tpu.memref_slice %arg4[%add3A_175, %dma_wait3A_176] : memref<50000x256xf32, #tpu.memory_space<hbm>> -> memref<128x256xf32, #tpu.memory_space<hbm>>
      %dma_wait3A_178 = arith.constant 0 : i32
      %dma_wait3A_179 = tpu.memref_slice %arg4[%add3A_175, %dma_wait3A_178] : memref<50000x256xf32, #tpu.memory_space<hbm>> -> memref<128x256xf32, #tpu.memory_space<hbm>>
      tpu.wait_dma2 semaphore(%arg14 : memref<!tpu.dma_semaphore, #tpu.memory_space<semaphore_mem>>) src(%arg8 : memref<128x256xf32, #tpu.memory_space<vmem>>) dst(%dma_wait3A_179 : memref<128x256xf32, #tpu.memory_space<hbm>>)
      %dma_start3A_180 = arith.constant 1408 : i32
      %dma_start3A_181 = tpu.memref_slice %arg5[%dma_start3A_180] : memref<1664xi32, #tpu.memory_space<vmem>> -> memref<128xi32, #tpu.memory_space<vmem>>
      %dma_start3A_182 = arith.constant 0 : i32
      %dma_start3A_183 = arith.constant 0 : i32
      %dma_start3A_184 = tpu.memref_slice %arg3[%dma_start3A_182, %dma_start3A_183] : memref<3200x256xf32, #tpu.memory_space<hbm>> -> memref<3200x256xf32, #tpu.memory_space<hbm>>
      tpu.enqueue_indirect_dma source(%dma_start3A_184 : memref<3200x256xf32, #tpu.memory_space<hbm>>) target(%arg8 : memref<128x256xf32, #tpu.memory_space<vmem>>) offsets(%dma_start3A_181 : memref<128xi32, #tpu.memory_space<vmem>>) semaphore(%arg11 : memref<!tpu.dma_semaphore, #tpu.memory_space<semaphore_mem>>)
    } else {
    }
    %gt3A_127 = arith.constant 9 : i32
    %gt3A_128 = arith.cmpi sgt, %add3A_4, %gt3A_127 : i32
    %convert_element_type3A_129 = arith.extui %gt3A_128 : i1 to i32
    %cond3A_130 = arith.constant 0 : i32
    %cond3A_131 = arith.cmpi ne, %convert_element_type3A_129, %cond3A_130 : i32
    scf.if %cond3A_131 {
      %dma_wait3A_174 = arith.constant 1152 : i32
      %dma_wait3A_175 = tpu.memref_slice %arg5[%dma_wait3A_174] : memref<1664xi32, #tpu.memory_space<vmem>> -> memref<128xi32, #tpu.memory_space<vmem>>
      %dma_wait3A_176 = arith.constant 0 : i32
      %dma_wait3A_177 = arith.constant 0 : i32
      %dma_wait3A_178 = tpu.memref_slice %arg3[%dma_wait3A_176, %dma_wait3A_177] : memref<3200x256xf32, #tpu.memory_space<hbm>> -> memref<3200x256xf32, #tpu.memory_space<hbm>>
      tpu.wait_indirect_dma semaphore(%arg9 : memref<!tpu.dma_semaphore, #tpu.memory_space<semaphore_mem>>) src(%dma_wait3A_178 : memref<3200x256xf32, #tpu.memory_space<hbm>>) dst(%arg6 : memref<128x256xf32, #tpu.memory_space<vmem>>)
      %add3A_179 = arith.constant 1152 : i32
      %add3A_180 = arith.addi %mul3A_10, %add3A_179 : i32
      %dma_start3A_181 = arith.constant 0 : i32
      %dma_start3A_182 = tpu.memref_slice %arg4[%add3A_180, %dma_start3A_181] : memref<50000x256xf32, #tpu.memory_space<hbm>> -> memref<128x256xf32, #tpu.memory_space<hbm>>
      %dma_start3A_183 = arith.constant 0 : i32
      %dma_start3A_184 = tpu.memref_slice %arg4[%add3A_180, %dma_start3A_183] : memref<50000x256xf32, #tpu.memory_space<hbm>> -> memref<128x256xf32, #tpu.memory_space<hbm>>
      tpu.enqueue_dma source(%arg6 : memref<128x256xf32, #tpu.memory_space<vmem>>) target(%dma_start3A_184 : memref<128x256xf32, #tpu.memory_space<hbm>>) target_semaphore(%arg12 : memref<!tpu.dma_semaphore, #tpu.memory_space<semaphore_mem>>)
    } else {
    }
    %gt3A_132 = arith.constant 12 : i32
    %gt3A_133 = arith.cmpi sgt, %add3A_4, %gt3A_132 : i32
    %convert_element_type3A_134 = arith.extui %gt3A_133 : i1 to i32
    %cond3A_135 = arith.constant 0 : i32
    %cond3A_136 = arith.cmpi ne, %convert_element_type3A_134, %cond3A_135 : i32
    scf.if %cond3A_136 {
      %add3A_174 = arith.constant 1152 : i32
      %add3A_175 = arith.addi %mul3A_10, %add3A_174 : i32
      %dma_wait3A_176 = arith.constant 0 : i32
      %dma_wait3A_177 = tpu.memref_slice %arg4[%add3A_175, %dma_wait3A_176] : memref<50000x256xf32, #tpu.memory_space<hbm>> -> memref<128x256xf32, #tpu.memory_space<hbm>>
      %dma_wait3A_178 = arith.constant 0 : i32
      %dma_wait3A_179 = tpu.memref_slice %arg4[%add3A_175, %dma_wait3A_178] : memref<50000x256xf32, #tpu.memory_space<hbm>> -> memref<128x256xf32, #tpu.memory_space<hbm>>
      tpu.wait_dma2 semaphore(%arg12 : memref<!tpu.dma_semaphore, #tpu.memory_space<semaphore_mem>>) src(%arg6 : memref<128x256xf32, #tpu.memory_space<vmem>>) dst(%dma_wait3A_179 : memref<128x256xf32, #tpu.memory_space<hbm>>)
      %dma_start3A_180 = arith.constant 1536 : i32
      %dma_start3A_181 = tpu.memref_slice %arg5[%dma_start3A_180] : memref<1664xi32, #tpu.memory_space<vmem>> -> memref<128xi32, #tpu.memory_space<vmem>>
      %dma_start3A_182 = arith.constant 0 : i32
      %dma_start3A_183 = arith.constant 0 : i32
      %dma_start3A_184 = tpu.memref_slice %arg3[%dma_start3A_182, %dma_start3A_183] : memref<3200x256xf32, #tpu.memory_space<hbm>> -> memref<3200x256xf32, #tpu.memory_space<hbm>>
      tpu.enqueue_indirect_dma source(%dma_start3A_184 : memref<3200x256xf32, #tpu.memory_space<hbm>>) target(%arg6 : memref<128x256xf32, #tpu.memory_space<vmem>>) offsets(%dma_start3A_181 : memref<128xi32, #tpu.memory_space<vmem>>) semaphore(%arg9 : memref<!tpu.dma_semaphore, #tpu.memory_space<semaphore_mem>>)
    } else {
    }
    %gt3A_137 = arith.constant 10 : i32
    %gt3A_138 = arith.cmpi sgt, %add3A_4, %gt3A_137 : i32
    %convert_element_type3A_139 = arith.extui %gt3A_138 : i1 to i32
    %cond3A_140 = arith.constant 0 : i32
    %cond3A_141 = arith.cmpi ne, %convert_element_type3A_139, %cond3A_140 : i32
    scf.if %cond3A_141 {
      %dma_wait3A_174 = arith.constant 1280 : i32
      %dma_wait3A_175 = tpu.memref_slice %arg5[%dma_wait3A_174] : memref<1664xi32, #tpu.memory_space<vmem>> -> memref<128xi32, #tpu.memory_space<vmem>>
      %dma_wait3A_176 = arith.constant 0 : i32
      %dma_wait3A_177 = arith.constant 0 : i32
      %dma_wait3A_178 = tpu.memref_slice %arg3[%dma_wait3A_176, %dma_wait3A_177] : memref<3200x256xf32, #tpu.memory_space<hbm>> -> memref<3200x256xf32, #tpu.memory_space<hbm>>
      tpu.wait_indirect_dma semaphore(%arg10 : memref<!tpu.dma_semaphore, #tpu.memory_space<semaphore_mem>>) src(%dma_wait3A_178 : memref<3200x256xf32, #tpu.memory_space<hbm>>) dst(%arg7 : memref<128x256xf32, #tpu.memory_space<vmem>>)
      %add3A_179 = arith.constant 1280 : i32
      %add3A_180 = arith.addi %mul3A_10, %add3A_179 : i32
      %dma_start3A_181 = arith.constant 0 : i32
      %dma_start3A_182 = tpu.memref_slice %arg4[%add3A_180, %dma_start3A_181] : memref<50000x256xf32, #tpu.memory_space<hbm>> -> memref<128x256xf32, #tpu.memory_space<hbm>>
      %dma_start3A_183 = arith.constant 0 : i32
      %dma_start3A_184 = tpu.memref_slice %arg4[%add3A_180, %dma_start3A_183] : memref<50000x256xf32, #tpu.memory_space<hbm>> -> memref<128x256xf32, #tpu.memory_space<hbm>>
      tpu.enqueue_dma source(%arg7 : memref<128x256xf32, #tpu.memory_space<vmem>>) target(%dma_start3A_184 : memref<128x256xf32, #tpu.memory_space<hbm>>) target_semaphore(%arg13 : memref<!tpu.dma_semaphore, #tpu.memory_space<semaphore_mem>>)
    } else {
    }
    %gt3A_142 = arith.constant 11 : i32
    %gt3A_143 = arith.cmpi sgt, %add3A_4, %gt3A_142 : i32
    %convert_element_type3A_144 = arith.extui %gt3A_143 : i1 to i32
    %cond3A_145 = arith.constant 0 : i32
    %cond3A_146 = arith.cmpi ne, %convert_element_type3A_144, %cond3A_145 : i32
    scf.if %cond3A_146 {
      %dma_wait3A_174 = arith.constant 1408 : i32
      %dma_wait3A_175 = tpu.memref_slice %arg5[%dma_wait3A_174] : memref<1664xi32, #tpu.memory_space<vmem>> -> memref<128xi32, #tpu.memory_space<vmem>>
      %dma_wait3A_176 = arith.constant 0 : i32
      %dma_wait3A_177 = arith.constant 0 : i32
      %dma_wait3A_178 = tpu.memref_slice %arg3[%dma_wait3A_176, %dma_wait3A_177] : memref<3200x256xf32, #tpu.memory_space<hbm>> -> memref<3200x256xf32, #tpu.memory_space<hbm>>
      tpu.wait_indirect_dma semaphore(%arg11 : memref<!tpu.dma_semaphore, #tpu.memory_space<semaphore_mem>>) src(%dma_wait3A_178 : memref<3200x256xf32, #tpu.memory_space<hbm>>) dst(%arg8 : memref<128x256xf32, #tpu.memory_space<vmem>>)
      %add3A_179 = arith.constant 1408 : i32
      %add3A_180 = arith.addi %mul3A_10, %add3A_179 : i32
      %dma_start3A_181 = arith.constant 0 : i32
      %dma_start3A_182 = tpu.memref_slice %arg4[%add3A_180, %dma_start3A_181] : memref<50000x256xf32, #tpu.memory_space<hbm>> -> memref<128x256xf32, #tpu.memory_space<hbm>>
      %dma_start3A_183 = arith.constant 0 : i32
      %dma_start3A_184 = tpu.memref_slice %arg4[%add3A_180, %dma_start3A_183] : memref<50000x256xf32, #tpu.memory_space<hbm>> -> memref<128x256xf32, #tpu.memory_space<hbm>>
      tpu.enqueue_dma source(%arg8 : memref<128x256xf32, #tpu.memory_space<vmem>>) target(%dma_start3A_184 : memref<128x256xf32, #tpu.memory_space<hbm>>) target_semaphore(%arg14 : memref<!tpu.dma_semaphore, #tpu.memory_space<semaphore_mem>>)
    } else {
    }
    %gt3A_147 = arith.constant 12 : i32
    %gt3A_148 = arith.cmpi sgt, %add3A_4, %gt3A_147 : i32
    %convert_element_type3A_149 = arith.extui %gt3A_148 : i1 to i32
    %cond3A_150 = arith.constant 0 : i32
    %cond3A_151 = arith.cmpi ne, %convert_element_type3A_149, %cond3A_150 : i32
    scf.if %cond3A_151 {
      %dma_wait3A_174 = arith.constant 1536 : i32
      %dma_wait3A_175 = tpu.memref_slice %arg5[%dma_wait3A_174] : memref<1664xi32, #tpu.memory_space<vmem>> -> memref<128xi32, #tpu.memory_space<vmem>>
      %dma_wait3A_176 = arith.constant 0 : i32
      %dma_wait3A_177 = arith.constant 0 : i32
      %dma_wait3A_178 = tpu.memref_slice %arg3[%dma_wait3A_176, %dma_wait3A_177] : memref<3200x256xf32, #tpu.memory_space<hbm>> -> memref<3200x256xf32, #tpu.memory_space<hbm>>
      tpu.wait_indirect_dma semaphore(%arg9 : memref<!tpu.dma_semaphore, #tpu.memory_space<semaphore_mem>>) src(%dma_wait3A_178 : memref<3200x256xf32, #tpu.memory_space<hbm>>) dst(%arg6 : memref<128x256xf32, #tpu.memory_space<vmem>>)
      %add3A_179 = arith.constant 1536 : i32
      %add3A_180 = arith.addi %mul3A_10, %add3A_179 : i32
      %dma_start3A_181 = arith.constant 0 : i32
      %dma_start3A_182 = tpu.memref_slice %arg4[%add3A_180, %dma_start3A_181] : memref<50000x256xf32, #tpu.memory_space<hbm>> -> memref<128x256xf32, #tpu.memory_space<hbm>>
      %dma_start3A_183 = arith.constant 0 : i32
      %dma_start3A_184 = tpu.memref_slice %arg4[%add3A_180, %dma_start3A_183] : memref<50000x256xf32, #tpu.memory_space<hbm>> -> memref<128x256xf32, #tpu.memory_space<hbm>>
      tpu.enqueue_dma source(%arg6 : memref<128x256xf32, #tpu.memory_space<vmem>>) target(%dma_start3A_184 : memref<128x256xf32, #tpu.memory_space<hbm>>) target_semaphore(%arg12 : memref<!tpu.dma_semaphore, #tpu.memory_space<semaphore_mem>>)
    } else {
    }
    %add3A_152 = arith.constant 0 : i32
    %add3A_153 = arith.addi %mul3A_10, %add3A_152 : i32
    %dma_wait3A = arith.constant 0 : i32
    %dma_wait3A_154 = tpu.memref_slice %arg4[%add3A_153, %dma_wait3A] : memref<50000x256xf32, #tpu.memory_space<hbm>> -> memref<128x256xf32, #tpu.memory_space<hbm>>
    %dma_wait3A_155 = arith.constant 0 : i32
    %dma_wait3A_156 = tpu.memref_slice %arg4[%add3A_153, %dma_wait3A_155] : memref<50000x256xf32, #tpu.memory_space<hbm>> -> memref<128x256xf32, #tpu.memory_space<hbm>>
    tpu.wait_dma2 semaphore(%arg12 : memref<!tpu.dma_semaphore, #tpu.memory_space<semaphore_mem>>) src(%arg6 : memref<128x256xf32, #tpu.memory_space<vmem>>) dst(%dma_wait3A_156 : memref<128x256xf32, #tpu.memory_space<hbm>>)
    %add3A_157 = arith.constant 128 : i32
    %add3A_158 = arith.addi %mul3A_10, %add3A_157 : i32
    %dma_wait3A_159 = arith.constant 0 : i32
    %dma_wait3A_160 = tpu.memref_slice %arg4[%add3A_158, %dma_wait3A_159] : memref<50000x256xf32, #tpu.memory_space<hbm>> -> memref<128x256xf32, #tpu.memory_space<hbm>>
    %dma_wait3A_161 = arith.constant 0 : i32
    %dma_wait3A_162 = tpu.memref_slice %arg4[%add3A_158, %dma_wait3A_161] : memref<50000x256xf32, #tpu.memory_space<hbm>> -> memref<128x256xf32, #tpu.memory_space<hbm>>
    tpu.wait_dma2 semaphore(%arg13 : memref<!tpu.dma_semaphore, #tpu.memory_space<semaphore_mem>>) src(%arg7 : memref<128x256xf32, #tpu.memory_space<vmem>>) dst(%dma_wait3A_162 : memref<128x256xf32, #tpu.memory_space<hbm>>)
    %add3A_163 = arith.constant 256 : i32
    %add3A_164 = arith.addi %mul3A_10, %add3A_163 : i32
    %dma_wait3A_165 = arith.constant 0 : i32
    %dma_wait3A_166 = tpu.memref_slice %arg4[%add3A_164, %dma_wait3A_165] : memref<50000x256xf32, #tpu.memory_space<hbm>> -> memref<128x256xf32, #tpu.memory_space<hbm>>
    %dma_wait3A_167 = arith.constant 0 : i32
    %dma_wait3A_168 = tpu.memref_slice %arg4[%add3A_164, %dma_wait3A_167] : memref<50000x256xf32, #tpu.memory_space<hbm>> -> memref<128x256xf32, #tpu.memory_space<hbm>>
    tpu.wait_dma2 semaphore(%arg14 : memref<!tpu.dma_semaphore, #tpu.memory_space<semaphore_mem>>) src(%arg8 : memref<128x256xf32, #tpu.memory_space<vmem>>) dst(%dma_wait3A_168 : memref<128x256xf32, #tpu.memory_space<hbm>>)
    %eq3A_169 = arith.constant 31 : i32
    %eq3A_170 = arith.cmpi eq, %add3A, %eq3A_169 : i32
    %convert_element_type3A_171 = arith.extui %eq3A_170 : i1 to i32
    %cond3A_172 = arith.constant 0 : i32
    %cond3A_173 = arith.cmpi ne, %convert_element_type3A_171, %cond3A_172 : i32
    scf.if %cond3A_173 {
      %dma_start3A_174 = arith.constant 0 : i32
      %dma_start3A_175 = arith.constant 0 : i32
      %dma_start3A_176 = tpu.memref_slice %arg6[%dma_start3A_174, %dma_start3A_175] : memref<128x256xf32, #tpu.memory_space<vmem>> -> memref<80x256xf32, #tpu.memory_space<vmem>>
      %dma_start3A_177 = arith.constant 1536 : i32
      %dma_start3A_178 = tpu.memref_slice %arg5[%dma_start3A_177] : memref<1664xi32, #tpu.memory_space<vmem>> -> memref<80xi32, #tpu.memory_space<vmem>>
      %dma_start3A_179 = arith.constant 0 : i32
      %dma_start3A_180 = arith.constant 0 : i32
      %dma_start3A_181 = tpu.memref_slice %arg3[%dma_start3A_179, %dma_start3A_180] : memref<3200x256xf32, #tpu.memory_space<hbm>> -> memref<3200x256xf32, #tpu.memory_space<hbm>>
      tpu.enqueue_indirect_dma source(%dma_start3A_181 : memref<3200x256xf32, #tpu.memory_space<hbm>>) target(%dma_start3A_176 : memref<80x256xf32, #tpu.memory_space<vmem>>) offsets(%dma_start3A_178 : memref<80xi32, #tpu.memory_space<vmem>>) semaphore(%arg9 : memref<!tpu.dma_semaphore, #tpu.memory_space<semaphore_mem>>)
      %dma_wait3A_182 = arith.constant 0 : i32
      %dma_wait3A_183 = arith.constant 0 : i32
      %dma_wait3A_184 = tpu.memref_slice %arg6[%dma_wait3A_182, %dma_wait3A_183] : memref<128x256xf32, #tpu.memory_space<vmem>> -> memref<80x256xf32, #tpu.memory_space<vmem>>
      %dma_wait3A_185 = arith.constant 1536 : i32
      %dma_wait3A_186 = tpu.memref_slice %arg5[%dma_wait3A_185] : memref<1664xi32, #tpu.memory_space<vmem>> -> memref<80xi32, #tpu.memory_space<vmem>>
      %dma_wait3A_187 = arith.constant 0 : i32
      %dma_wait3A_188 = arith.constant 0 : i32
      %dma_wait3A_189 = tpu.memref_slice %arg3[%dma_wait3A_187, %dma_wait3A_188] : memref<3200x256xf32, #tpu.memory_space<hbm>> -> memref<3200x256xf32, #tpu.memory_space<hbm>>
      tpu.wait_indirect_dma semaphore(%arg9 : memref<!tpu.dma_semaphore, #tpu.memory_space<semaphore_mem>>) src(%dma_wait3A_189 : memref<3200x256xf32, #tpu.memory_space<hbm>>) dst(%dma_wait3A_184 : memref<80x256xf32, #tpu.memory_space<vmem>>)
      "tpu.region"() ({
        %run_scoped3A = tpu.sem_alloc : memref<!tpu.dma_semaphore, #tpu.memory_space<semaphore_mem>>
        %dma_start3A_190 = arith.constant 0 : i32
        %dma_start3A_191 = arith.constant 0 : i32
        %dma_start3A_192 = tpu.memref_slice %arg6[%dma_start3A_190, %dma_start3A_191] : memref<128x256xf32, #tpu.memory_space<vmem>> -> memref<80x256xf32, #tpu.memory_space<vmem>>
        %dma_start3A_193 = arith.constant 49920 : i32
        %dma_start3A_194 = arith.constant 0 : i32
        %dma_start3A_195 = tpu.memref_slice %arg4[%dma_start3A_193, %dma_start3A_194] : memref<50000x256xf32, #tpu.memory_space<hbm>> -> memref<80x256xf32, #tpu.memory_space<hbm>>
        %dma_start3A_196 = arith.constant 49920 : i32
        %dma_start3A_197 = arith.constant 0 : i32
        %dma_start3A_198 = tpu.memref_slice %arg4[%dma_start3A_196, %dma_start3A_197] : memref<50000x256xf32, #tpu.memory_space<hbm>> -> memref<80x256xf32, #tpu.memory_space<hbm>>
        %dma_start3A_199 = arith.constant 0 : i32
        %dma_start3A_200 = arith.constant 0 : i32
        %dma_start3A_201 = tpu.memref_slice %arg6[%dma_start3A_199, %dma_start3A_200] : memref<128x256xf32, #tpu.memory_space<vmem>> -> memref<80x256xf32, #tpu.memory_space<vmem>>
        tpu.enqueue_dma source(%dma_start3A_201 : memref<80x256xf32, #tpu.memory_space<vmem>>) target(%dma_start3A_198 : memref<80x256xf32, #tpu.memory_space<hbm>>) target_semaphore(%run_scoped3A : memref<!tpu.dma_semaphore, #tpu.memory_space<semaphore_mem>>)
        %dma_wait3A_202 = arith.constant 0 : i32
        %dma_wait3A_203 = arith.constant 0 : i32
        %dma_wait3A_204 = tpu.memref_slice %arg6[%dma_wait3A_202, %dma_wait3A_203] : memref<128x256xf32, #tpu.memory_space<vmem>> -> memref<80x256xf32, #tpu.memory_space<vmem>>
        %dma_wait3A_205 = arith.constant 49920 : i32
        %dma_wait3A_206 = arith.constant 0 : i32
        %dma_wait3A_207 = tpu.memref_slice %arg4[%dma_wait3A_205, %dma_wait3A_206] : memref<50000x256xf32, #tpu.memory_space<hbm>> -> memref<80x256xf32, #tpu.memory_space<hbm>>
        %dma_wait3A_208 = arith.constant 49920 : i32
        %dma_wait3A_209 = arith.constant 0 : i32
        %dma_wait3A_210 = tpu.memref_slice %arg4[%dma_wait3A_208, %dma_wait3A_209] : memref<50000x256xf32, #tpu.memory_space<hbm>> -> memref<80x256xf32, #tpu.memory_space<hbm>>
        %dma_wait3A_211 = arith.constant 0 : i32
        %dma_wait3A_212 = arith.constant 0 : i32
        %dma_wait3A_213 = tpu.memref_slice %arg6[%dma_wait3A_211, %dma_wait3A_212] : memref<128x256xf32, #tpu.memory_space<vmem>> -> memref<80x256xf32, #tpu.memory_space<vmem>>
        tpu.wait_dma2 semaphore(%run_scoped3A : memref<!tpu.dma_semaphore, #tpu.memory_space<semaphore_mem>>) src(%dma_wait3A_213 : memref<80x256xf32, #tpu.memory_space<vmem>>) dst(%dma_wait3A_210 : memref<80x256xf32, #tpu.memory_space<hbm>>)
        tpu.yield
      }) : () -> ()
    } else {
    }
    return
  }
}

</mosaic_0001>

<sc_bundles>
// kernel: _run.3.cloned.1.call-start
scs
__scs_entry_jumppad:
0x0: {  	(pc) =	sbr.rel $0x88, $3  }
0x1: {  	(tag) =	ssettag $0x0;
	lr =	simm.s32 $0x1  }
0x2: {  	[smem:$0x3F9F] =	sst lr;
	_ =	strace $0xD0000000  }
0x3: {  	_ = 	snop  }
0x4: {  	_ = 	snop  }
0x5: {  	_ = 	snop  }
0x6: {  	_ = 	snop  }
0x7: {  	_ = 	snop  }
__scs_overlays_trampoline_lowered:
0x8: {  	[smem:$0x3FAE] =	sst s0  }
0x9: {  	[smem:$0x3FAF] =	sst s1  }
0xa: {  	[smem:$0x3FB0] =	sst s2  }
0xb: {  	[smem:$0x3FB1] =	sst s3  }
0xc: {  	[smem:$0x3FB2] =	sst s4  }
0xd: {  	[smem:$0x3FB3] =	sst s5  }
0xe: {  	[smem:$0x3FB4] =	sst s6  }
0xf: {  	[smem:$0x3FB5] =	sst s7  }
0x10: {  	[smem:$0x3FB6] =	sst s8  }
0x11: {  	[smem:$0x3FB7] =	sst s9;
	s0 =	simm.s32 @!p0 $0x0  }
0x12: {  	s1 =	sld [smem:$0x3F9D];
	s0 =	simm.s32 @p0 $0x1  }
0x13: {  	[smem:$0x3FB8] =	sst s0;
	s0 =	simm.s32 @!p1 $0x0  }
0x14: {  	s2 =	sld [smem:$0x3F9C];
	s0 =	simm.s32 @p1 $0x1  }
0x15: {  	[smem:$0x3FB9] =	sst s0;
	s0 =	simm.s32 @!p2 $0x0  }
0x16: {  	s3 =	sld [smem:$0x3FDB];
	s0 =	simm.s32 @p2 $0x1  }
0x17: {  	s4 =	simm.s32 $0x1BF5;
	[smem:$0x3FBB] =	sst s0  }
0x18: {  	s0 =	sld [smem:$0x3F9E];
	_ =	swait.ge [sflag:s4], $0x0  }
0x19: {  	s7 =	sld [smem:$0x3F9F]  }
0x1a: {  	s8 =	sadd.s32 $0xFFFFE003, lr  }
0x1b: {  	s9 =	sadd.s32 $0xFFFFFEF7, lr;
	s5 =	simm.s32 $0xFFFFFFFF;
	p2 =	slt.u32 s8, $0xFFFFF086  }
0x1c: {  	p1 =	slt.u32 s9, $0xF7A;
	s5 =	simm.s32 @!p2 $0x0  }
0x1d: {  	s5 =	simm.s32 @p1 $0x1;
	p0 =	seq.s32 s7, s2  }
0x1e: {  	s7 =	smul.u32 @!p0 $0xF7A, s2;
	p2 =	seq.s32 @!p0 s5, $0x0  }
0x1f: {  	s9 =	smul.u32 $0xF7A, s1;
	s8 =	simm.s32 @!p0 $0x1BF5;
	p2 =	por !p2, p0  }
0x20: {  	[sflag:s8] =	ssyncset.s32 @!p0 $0xFFFFF086;
	s6 =	sadd.s32 @!p0 s3, s7;
	s7 =	simm.s32 @!p0 $0x108  }
0x21: {  	s3 =	sadd.s32 s3, s9;
	s6 =	sadd.s32 @!p0 $0x88, s6;
	s7 =	simm.s32 @p2 $0x1082  }
0x22: {  	[simem:s7], [sflag:s8] =	dma.local @!p0 [hbm:s6], $0xF7A  }
0x23: {  	s9 =	sor.u32 $0xD0000000, s2;
	s6 =	simm.s32 $0x108;
	_ =	swait.ge @!p0 [sflag:s8], $0x0  }
0x24: {  	s3 =	sadd.s32 $0x88, s3;
	s6 =	simm.s32 @!p1 $0x1082;
	[sflag:s4] =	ssyncset.s32 $0xFFFFF086  }
0x25: {  	[simem:s6], [sflag:s4] =	dma.local [hbm:s3], $0xF7A  }
0x26: {  	[smem:$0x3F9F] =	sst s1;
	(tag) =	ssettag s2;
	_ =	strace s9  }
0x27: {  	s1 =	sld [smem:$0x3FAF]  }
0x28: {  	s2 =	sld [smem:$0x3FB0]  }
0x29: {  	s4 =	sld [smem:$0x3FB2]  }
0x2a: {  	p0 =	seq.s32 s5, $0x0;
	s5 =	sld [smem:$0x3FB3]  }
0x2b: {  	s6 =	sld [smem:$0x3FB4]  }
0x2c: {  	s7 =	sld [smem:$0x3FB5]  }
0x2d: {  	s3 =	simm.s32 $0x108;
	s8 =	sld [smem:$0x3FB6]  }
0x2e: {  	s3 =	simm.s32 @!p0 $0x1082;
	s9 =	sld [smem:$0x3FB7]  }
0x2f: {  	lr =	sadd.s32 s0, s3;
	s0 =	sld [smem:$0x3FAE]  }
0x30: {  	s3 =	sld [smem:$0x3FB1]  }
0x31: {  	[smem:$0x3FBA] =	sst s10  }
0x32: {  	s10 =	sld [smem:$0x3FB8];
	_ =	sdelay $0x3  }
0x33: {  	p0 =	seq.s32 s10, $0x1;
	s10 =	sld [smem:$0x3FBA];
	_ =	sdelay $0x3  }
0x34: {  	[smem:$0x3FBA] =	sst s10  }
0x35: {  	s10 =	sld [smem:$0x3FB9];
	_ =	sdelay $0x3  }
0x36: {  	p1 =	seq.s32 s10, $0x1;
	s10 =	sld [smem:$0x3FBA];
	_ =	sdelay $0x3  }
0x37: {  	[smem:$0x3FBA] =	sst s10  }
0x38: {  	s10 =	sld [smem:$0x3FBB]  }
0x39: {  	_ = 	snop;
	(pc) =	sbr.ind lr, $3  }
0x3a: {  	_ = 	snop  }
0x3b: {  	_ = 	snop  }
0x3c: {  	p2 =	seq.s32 s10, $0x1;
	s10 =	sld [smem:$0x3FBA]  }
0x3d: {  	_ =	shalt  }
0x3e: {  	_ =	shalt  }
0x3f: {  	_ =	shalt  }
0x40: {  	_ =	shalt  }
0x41: {  	_ =	shalt  }
0x42: {  	_ =	shalt  }
0x43: {  	_ =	shalt  }
0x44: {  	_ =	shalt  }
0x45: {  	_ =	shalt  }
0x46: {  	_ =	shalt  }
0x47: {  	_ =	shalt  }
0x48: {  	_ =	shalt  }
0x49: {  	_ =	shalt  }
0x4a: {  	_ =	shalt  }
0x4b: {  	_ =	shalt  }
0x4c: {  	_ =	shalt  }
0x4d: {  	_ =	shalt  }
0x4e: {  	_ =	shalt  }
0x4f: {  	_ =	shalt  }
0x50: {  	_ =	shalt  }
0x51: {  	_ =	shalt  }
0x52: {  	_ =	shalt  }
0x53: {  	_ =	shalt  }
0x54: {  	_ =	shalt  }
0x55: {  	_ =	shalt  }
0x56: {  	_ =	shalt  }
0x57: {  	_ =	shalt  }
0x58: {  	_ =	shalt  }
0x59: {  	_ =	shalt  }
0x5a: {  	_ =	shalt  }
0x5b: {  	_ =	shalt  }
0x5c: {  	_ =	shalt  }
0x5d: {  	_ =	shalt  }
0x5e: {  	_ =	shalt  }
0x5f: {  	_ =	shalt  }
0x60: {  	_ =	shalt  }
0x61: {  	_ =	shalt  }
0x62: {  	_ =	shalt  }
0x63: {  	_ =	shalt  }
0x64: {  	_ =	shalt  }
0x65: {  	_ =	shalt  }
0x66: {  	_ =	shalt  }
0x67: {  	_ =	shalt  }
0x68: {  	_ =	shalt  }
0x69: {  	_ =	shalt  }
0x6a: {  	_ =	shalt  }
0x6b: {  	_ =	shalt  }
0x6c: {  	_ =	shalt  }
0x6d: {  	_ =	shalt  }
0x6e: {  	_ =	shalt  }
0x6f: {  	_ =	shalt  }
0x70: {  	_ =	shalt  }
0x71: {  	_ =	shalt  }
0x72: {  	_ =	shalt  }
0x73: {  	_ =	shalt  }
0x74: {  	_ =	shalt  }
0x75: {  	_ =	shalt  }
0x76: {  	_ =	shalt  }
0x77: {  	_ =	shalt  }
0x78: {  	_ =	shalt  }
0x79: {  	_ =	shalt  }
0x7a: {  	_ =	shalt  }
0x7b: {  	_ =	shalt  }
0x7c: {  	_ =	shalt  }
0x7d: {  	_ =	shalt  }
0x7e: {  	_ =	shalt  }
0x7f: {  	_ =	shalt  }
0x80: {  	_ =	shalt  }
0x81: {  	_ =	shalt  }
0x82: {  	_ =	shalt  }
0x83: {  	_ =	shalt  }
0x84: {  	_ =	shalt  }
0x85: {  	_ =	shalt  }
0x86: {  	_ =	shalt  }
0x87: {  	_ =	shalt  }
.Lfunc_end0:
.L_simem_size_0:
called_computation_lowered:
.L_overlay_start_0:
0x88: {  	s2 =	sld [smem:$0x3FD9]  }
0x89: {  	s3 =	sld [smem:$0x3FFE];
	_ =	sdelay $0x1  }
0x8a: {  	s1 =	srdreg.scid  }
0x8b: {  	s0 =	sand.u32 $0x1, s1  }
0x8c: {  	s18 =	sshll.u32 s0, $0xA;
	s2 =	sadd.s32 s3, s2  }
0x8d: {  	s2 =	sadd.s32 s2, s18  }
0x8e: {  	[smem:$0x3FC6] =	sst s2  }
0x8f: {  	_ = 	snop  }
0x90: {  	s2 =	sld [smem:$0x3FC9]  }
0x91: {  	s19 =	sld [smem:$0x3FC8]  }
0x92: {  	s4 =	sld [smem:$0x3FD0];
	(tm) =	ssettm $0x1  }
0x93: {  	s5 =	sld [smem:$0x3FFB];
	_ =	sdelay $0x3  }
0x94: {  	_ =	strace s5  }
0x95: {  	s5 =	sld [smem:$0x3FFC];
	_ =	sdelay $0x3  }
0x96: {  	_ =	strace s5  }
0x97: {  	s5 =	sld [smem:$0x3FFD];
	_ =	sdelay $0x3  }
0x98: {  	_ =	strace s5  }
0x99: {  	_ =	strace $0x8FFFFFFF  }
0x9a: {  	s20 =	sld [smem:$0x3FDB];
	_ =	sdelay $0x1  }
0x9b: {  	s6 =	simm.s32 $_scs_section_size  }
0x9c: {  	s7 =	simm.s32 $_size__tile_overlayer_lowered;
	s8 =	simm.s32 $_tile_overlayer_lowered  }
0x9d: {  	s23 =	simm.s32 $0x1BFF;
	s22 =	sshll.u32 s8, $0x1;
	s5 =	sadd.s32 s6, s20  }
0x9e: {  	s9 =	simm.s32 $0x0;
	s21 =	sshll.u32 s7, $0x1;
	s7 =	sadd.s32 s22, s5  }
0x9f: {  	[timem:s9], [sflag:s23] =	dma.local [hbm:s7], s21  }
0xa0: {  	_ =	swait.ge [sflag:s23], s21  }
0xa1: {  	s6 =	ssub.s32 $0x0, s21;
	[sflag:s23] =	ssyncset.done $0x0  }
0xa2: {  	[sflag:s23] =	ssyncadd.s32 s6;
	_ =	sdelay $0x1  }
0xa3: {  	s24 =	simm.s32 $0x1B8B  }
0xa4: {  	_ =	swait.ge [sflag:s24], $0x1  }
0xa5: {  	[sflag:s24] =	ssyncset.done $0x0  }
0xa6: {  	s25 =	simm.s32 $0x1B8E;
	[sflag:s24] =	ssyncadd.s32 $0xFFFFFFFF  }
0xa7: {  	s26 =	simm.s32 $execute0_lowered;
	[smem:$0x3FD2] =	sst s25  }
0xa8: {  	s6 =	sshll.u32 s26, $0x1;
	_ =	strace $0x80000046;
	[dreg:$0x1] =	wrdreg $0xFFFFFFFF  }
0xa9: {  	s28 =	simm.s32 $_size_execute0_lowered;
	s5 =	sadd.s32 s5, s6;
	[dreg:$0x0] =	wrdreg $0x0  }
0xaa: {  	s6 =	sshll.u32 s28, $0x1;
	[dreg:$0x2] =	wrdreg s5  }
0xab: {  	[dreg:$0x3] =	wrdreg s6  }
0xac: {  	[dreg:$0x4] =	wrdreg $0xC0  }
0xad: {  	_ =	task [dreg:s9], $0x5FFFF  }
0xae: {  	[dreg:$0x1] =	wrdreg $0xFFFFFFFF  }
0xaf: {  	[dreg:$0x0] =	wrdreg $0x60  }
0xb0: {  	[dreg:$0x2] =	wrdreg s2  }
0xb1: {  	[dreg:$0x3] =	wrdreg s19  }
0xb2: {  	[dreg:$0x4] =	wrdreg s4  }
0xb3: {  	[dreg:$0x5] =	wrdreg $0x9  }
0xb4: {  	_ =	task.clear_ibuf [dreg:s9], $0x6FFFF;
	_ =	strace $0x90000046  }
0xb5: {  	s29 =	simm.s32 $0x9;
	_ =	strace $0x80000048  }
0xb6: {  	_ =	swait.ge [sflag:s29], $0x1  }
0xb7: {  	[sflag:s29] =	ssyncadd.s32 $0xFFFFFFFF  }
0xb8: {  	_ =	strace $0x90000048  }
0xb9: {  	_ =	sfence  }
0xba: {  	s30 =	sld [smem:$0x0];
	_ =	sdelay $0x2  }
0xbb: {  	s31 =	sshll.u32 s1, $0xD;
	s1 =	sshrl.u32 s1, $0x2  }
0xbc: {  	s3 =	sand.u32 $0x4000, s31;
	s1 =	sadd.s32 s1, s30  }
0xbd: {  	s0 =	sor.u32 s3, s0;
	s1 =	sshll.u32 s1, $0x11  }
0xbe: {  	s0 =	sor.u32 s1, s0  }
0xbf: {  	s0 =	sadd.s32 $0x8F2B, s0  }
0xc0: {  	[sflag:s0] =	ssyncadd.remote.s32 $0x1  }
0xc1: {  	_ =	sfence.sel $0xFFFF  }
0xc2: {  	[dreg:$0x0] =	wrdreg $0xFFFFFFFF;
	(pc) =	sbr.abs _section_cstart, $3  }
0xc3: {  	[dreg:$0x1] =	wrdreg $0xFFFFFFFF  }
0xc4: {  	_ =	task.clear_ibuf [dreg:s9], $0x2FFFF;
	_ =	strace $0x9FFFFFFF  }
0xc5: {  	(tm) =	ssettm $0x7FFFFFFF  }
tec
execute0_lowered:
.L_overlay_start_1:
0x0: {  	(tag) =	ssettag $0x1  }
0x1: {  	s0 =	srdreg.scid  }
0x2: {  	s8 =	stileid.u32;
	s1 =	rddreg [dreg:$0x0]  }
0x3: {  	s4 =	rddreg [dreg:$0x2];
	s0 =	sand.u32 $0x1, s0;
	s3 =	sshll.u32 s8, $0x1  }
0x4: {  	s2 =	rddreg [dreg:$0x1];
	s31 =	sadd.s32 $0x186000, s4;
	s12 =	sor.u32 s0, s3  }
0x5: {  	s3 =	simm.s32 $0x0;
	s0 =	ssub.s32 $0x2, s0;
	s5 =	smul.u32 $0xC, s12  }
0x6: {  	s6 =	smin.u32 s12, $0x6;
	[smem:$0x7FF] =	sst s3;
	s17 =	sshrl.u32 s0, $0x1  }
0x7: {  	_ =	strace $0x80000047;
	s0 =	ssub.s32 s0, s17;
	s5 =	sadd.s32 s6, s5  }
0x8: {  	[dreg:$0x14] =	wrdreg s31;
	s0 =	smax.u32 s0, $0x1;
	s7 =	sshll.u32 s5, $0x4  }
0x9: {  	[dreg:$0x15] =	wrdreg s0;
	s18 =	sadd.s32 s1, s7  }
0xa: {  	s5 =	sshll.u32 s5, $0xC;
	s1 =	sadd.s32 $0x1860, s1;
	[dreg:$0x4] =	wrdreg s18  }
0xb: {  	s19 =	sadd.s32 s4, s5;
	[dreg:$0x6] =	wrdreg s1  }
0xc: {  	s6 =	sadd.s32 $0xC0, s18;
	[dreg:$0x7] =	wrdreg s19  }
0xd: {  	s5 =	sadd.s32 $0x1000, s19;
	[dreg:$0x5] =	wrdreg s6  }
0xe: {  	s20 =	sadd.s32 $0x2000, s19;
	[dreg:$0x8] =	wrdreg s5  }
0xf: {  	s21 =	sadd.s32 $0x3000, s19;
	[dreg:$0x9] =	wrdreg s20  }
0x10: {  	s11 =	simm.s32 $0x2;
	s22 =	sadd.s32 $0x4000, s19;
	[dreg:$0xa] =	wrdreg s21  }
0x11: {  	s14 =	simm.s32 $0x5;
	s23 =	sadd.s32 $0x5000, s19;
	[dreg:$0xb] =	wrdreg s22  }
0x12: {  	s15 =	simm.s32 $0x3;
	s24 =	sadd.s32 $0x6000, s19;
	[dreg:$0xc] =	wrdreg s23  }
0x13: {  	p0 =	sgt.u32 s8, $0x2;
	s25 =	sadd.s32 $0x7000, s19;
	[dreg:$0xd] =	wrdreg s24  }
0x14: {  	p1 =	sne.s32 s12, $0x1F;
	s26 =	sadd.s32 $0x8000, s19;
	[dreg:$0xe] =	wrdreg s25  }
.Ltmp0:
0x15: {  	s28 =	sadd.s32 $0x9000, s19;
	[dreg:$0xf] =	wrdreg s26;
	(pc) =	sbr.rel .LBB2_1-.Ltmp0, $4  }
0x16: {  	v0 =	vmov s12;
	s12 =	simm.s32 $0x4;
	s29 =	sadd.s32 $0xA000, s19;
	[dreg:$0x10] =	wrdreg s28  }
0x17: {  	v3 =	vlaneseq.u32;
	s17 =	simm.s32 $0x6;
	s30 =	sadd.s32 $0xB000, s19;
	[dreg:$0x11] =	wrdreg s29  }
0x18: {  	vm0 =	vmmov $0xffff;
	v2 =	vshrl.u32 v3, $0x3;
	s7 =	simm.s32 $0x1;
	s1 =	sadd.s32 $0xC000, s19;
	[dreg:$0x12] =	wrdreg s30  }
0x19: {  	v1 =	vand.u32 $0x7, v3;
	v3 =	vor.u32 $0x8, v3;
	v2 =	vmul.u32 $0x8, v2;
	s18 =	simm.s32 $0x0;
	[dreg:$0x13] =	wrdreg s1;
	s1 =	simm.s32 $0x680  }
.LBB2_7:
0x1a: {  	s18 =	sadd.s32 $0x1, s18;
	s4 =	rddreg [dreg:$0x15]  }
0x1b: {  	p2 =	sne.s32 s18, s4  }
.Ltmp1:
0x1c: {  	_ = 	snop;
	(pc) =	sbr.rel @!p2 .LBB2_8-.Ltmp1, $1  }
0x1d: {  	_ =	sdelay $0x3  }
.LBB2_1:
0x1e: {  	s19 =	rddreg [dreg:$0x4];
	s4 =	simm.s32 $0x7  }
0x1f: {  	[tilespmem:s3], [sflag:$0x7] =	stream.linear.gather [hbm4b:s19+s3], $0x600, $0x38;
	[tilespmem:$0x18680] =	vst v63  }
0x20: {  	_ =	swait.ge [sflag:s4], $0x600  }
0x21: {  	s21 =	simm.s32 @!p0 $0x600;
	[sflag:s4] =	ssyncset.done $0x0  }
0x22: {  	s19 =	simm.s32 @!p0 $0x0;
	[sflag:s4] =	ssyncadd.s32 $0xFFFFFA00;
	s4 =	rddreg [dreg:$0x5]  }
0x23: {  	[tilespmem:s21], [sflag:$0x7] =	stream.linear.gather @!p0 [hbm4b:s4+s19], $0x80, $0x38;
	[tilespmem:$0x18680] =	vst v63  }
0x24: {  	s19 =	simm.s32 @!p0 $0x7  }
0x25: {  	_ =	swait.ge @!p0 [sflag:s19], $0x80  }
0x26: {  	s21 =	simm.s32 @!p1 $0x600;
	[sflag:s19] =	ssyncset.done @!p0 $0x0  }
0x27: {  	s4 =	rddreg [dreg:$0x6];
	[sflag:s19] =	ssyncadd.s32 @!p0 $0xFFFFFF80;
	s19 =	simm.s32 @!p1 $0x0  }
0x28: {  	[tilespmem:s21], [sflag:$0x7] =	stream.linear.gather @!p1 [hbm4b:s4+s19], $0x50, $0x38;
	[tilespmem:$0x18680] =	vst v63  }
0x29: {  	s19 =	simm.s32 @!p1 $0x7  }
0x2a: {  	_ =	swait.ge @!p1 [sflag:s19], $0x50  }
0x2b: {  	[sflag:s19] =	ssyncset.done @!p1 $0x0  }
0x2c: {  	s21 =	simm.s32 $0x40;
	[sflag:s19] =	ssyncadd.s32 @!p1 $0xFFFFFFB0;
	s19 =	simm.s32 $0x0  }
.LBB2_2:
0x2d: {  	p2 =	sne.s32 s21, $0x19C0;
	v4 =	vld [tilespmem:s19+$0x0];
	_ =	sdelay $0x2  }
.Ltmp2:
0x2e: {  	(pc) =	sbr.rel @p2 .LBB2_2-.Ltmp2, $4  }
0x2f: {  	_ = 	snop  }
0x30: {  	v4 =	vshll.u32 v4, $0x5  }
0x31: {  	v4 =	vor.u32 v0, v4  }
0x32: {  	[tilespmem:s19+$0x0] =	vst v4;
	s19 =	sshra.s32 s21, $0x2;
	s21 =	sadd.s32 $0x40, s21  }
0x33: {  	v4 =	vld [tilespmem:s19+$0x0];
	_ =	sdelay $0x4  }
0x34: {  	v4 =	vshll.u32 v4, $0x5  }
0x35: {  	v4 =	vor.u32 v0, v4  }
0x36: {  	[tilespmem:s19+$0x0] =	vst v4  }
0x37: {  	v4 =	vld [tilespmem:$0x0];
	_ =	sdelay $0x4  }
0x38: {  	v5 =	vshll.u32 v4, $0x1  }
0x39: {  	v4 =	vand.u32 $0x7, v4;
	v5 =	vand.u32 $0xFFFFFFF0, v5  }
0x3a: {  	v4 =	vor.u32 v4, v5  }
0x3b: {  	v5 =	vperm.xlane v4, v1;
	_ =	sdelay $0x1  }
0x3c: {  	v4 =	vperm.xlane v4, v3;
	v5 =	vadd.s32 v2, v5;
	_ =	sdelay $0x1  }
0x3d: {  	v4 =	vadd.s32 v2, v4;
	_ =	sdelay $0x2  }
0x3e: {  	[tilespmem:s1], [sflag:$0x1] =	stream.indirect_vreg.gather [hbm4b:s2+s3], $0x80, v5, vm0, $0xb8;
	[tilespmem:$0x18680] =	vst v63  }
0x3f: {  	s0 =	simm.s32 $0xE80  }
0x40: {  	[tilespmem:s0], [sflag:$0x1] =	stream.indirect_vreg.gather [hbm4b:s2+s3], $0x80, v4, vm0, $0xb8;
	[tilespmem:$0x18680] =	vst v63  }
0x41: {  	v4 =	vld [tilespmem:$0x10];
	_ =	sdelay $0x4  }
0x42: {  	v5 =	vshll.u32 v4, $0x1  }
0x43: {  	v4 =	vand.u32 $0x7, v4;
	v5 =	vand.u32 $0xFFFFFFF0, v5  }
0x44: {  	v4 =	vor.u32 v4, v5  }
0x45: {  	v5 =	vperm.xlane v4, v1;
	_ =	sdelay $0x1  }
0x46: {  	v4 =	vperm.xlane v4, v3;
	v5 =	vadd.s32 v2, v5;
	_ =	sdelay $0x1  }
0x47: {  	v4 =	vadd.s32 v2, v4;
	_ =	sdelay $0x1  }
0x48: {  	s29 =	simm.s32 $0x1680  }
0x49: {  	[tilespmem:s29], [sflag:$0x1] =	stream.indirect_vreg.gather [hbm4b:s2+s3], $0x80, v5, vm0, $0xb8;
	[tilespmem:$0x18680] =	vst v63  }
0x4a: {  	s30 =	simm.s32 $0x1E80  }
0x4b: {  	[tilespmem:s30], [sflag:$0x1] =	stream.indirect_vreg.gather [hbm4b:s2+s3], $0x80, v4, vm0, $0xb8;
	[tilespmem:$0x18680] =	vst v63  }
0x4c: {  	v4 =	vld [tilespmem:$0x20];
	_ =	sdelay $0x4  }
0x4d: {  	v5 =	vshll.u32 v4, $0x1  }
0x4e: {  	v4 =	vand.u32 $0x7, v4;
	v5 =	vand.u32 $0xFFFFFFF0, v5  }
0x4f: {  	v4 =	vor.u32 v4, v5  }
0x50: {  	v5 =	vperm.xlane v4, v1;
	_ =	sdelay $0x1  }
0x51: {  	v4 =	vperm.xlane v4, v3;
	v5 =	vadd.s32 v2, v5;
	_ =	sdelay $0x1  }
0x52: {  	v4 =	vadd.s32 v2, v4;
	_ =	sdelay $0x1  }
0x53: {  	s31 =	simm.s32 $0x2680  }
0x54: {  	[tilespmem:s31], [sflag:$0x1] =	stream.indirect_vreg.gather [hbm4b:s2+s3], $0x80, v5, vm0, $0xb8;
	[tilespmem:$0x18680] =	vst v63  }
0x55: {  	s1 =	simm.s32 $0x2E80  }
0x56: {  	[tilespmem:s1], [sflag:$0x1] =	stream.indirect_vreg.gather [hbm4b:s2+s3], $0x80, v4, vm0, $0xb8;
	[tilespmem:$0x18680] =	vst v63  }
0x57: {  	v4 =	vld [tilespmem:$0x30];
	_ =	sdelay $0x4  }
0x58: {  	v5 =	vshll.u32 v4, $0x1  }
0x59: {  	v4 =	vand.u32 $0x7, v4;
	v5 =	vand.u32 $0xFFFFFFF0, v5  }
0x5a: {  	v4 =	vor.u32 v4, v5  }
0x5b: {  	v5 =	vperm.xlane v4, v1;
	_ =	sdelay $0x1  }
0x5c: {  	v4 =	vperm.xlane v4, v3;
	v5 =	vadd.s32 v2, v5;
	_ =	sdelay $0x1  }
0x5d: {  	v4 =	vadd.s32 v2, v4;
	_ =	sdelay $0x1  }
0x5e: {  	s4 =	simm.s32 $0x3680  }
0x5f: {  	[tilespmem:s4], [sflag:$0x1] =	stream.indirect_vreg.gather [hbm4b:s2+s3], $0x80, v5, vm0, $0xb8;
	[tilespmem:$0x18680] =	vst v63  }
0x60: {  	s5 =	simm.s32 $0x3E80  }
0x61: {  	[tilespmem:s5], [sflag:$0x1] =	stream.indirect_vreg.gather [hbm4b:s2+s3], $0x80, v4, vm0, $0xb8;
	[tilespmem:$0x18680] =	vst v63  }
0x62: {  	v4 =	vld [tilespmem:$0x40];
	_ =	sdelay $0x4  }
0x63: {  	v5 =	vshll.u32 v4, $0x1  }
0x64: {  	v4 =	vand.u32 $0x7, v4;
	v5 =	vand.u32 $0xFFFFFFF0, v5  }
0x65: {  	v4 =	vor.u32 v4, v5  }
0x66: {  	v5 =	vperm.xlane v4, v1;
	_ =	sdelay $0x1  }
0x67: {  	v4 =	vperm.xlane v4, v3;
	v5 =	vadd.s32 v2, v5;
	_ =	sdelay $0x1  }
0x68: {  	v4 =	vadd.s32 v2, v4;
	_ =	sdelay $0x1  }
0x69: {  	s10 =	simm.s32 $0x4680  }
0x6a: {  	[tilespmem:s10], [sflag:$0x1] =	stream.indirect_vreg.gather [hbm4b:s2+s3], $0x80, v5, vm0, $0xb8;
	[tilespmem:$0x18680] =	vst v63  }
0x6b: {  	s13 =	simm.s32 $0x4E80  }
0x6c: {  	[tilespmem:s13], [sflag:$0x1] =	stream.indirect_vreg.gather [hbm4b:s2+s3], $0x80, v4, vm0, $0xb8;
	[tilespmem:$0x18680] =	vst v63  }
0x6d: {  	v4 =	vld [tilespmem:$0x50];
	_ =	sdelay $0x4  }
0x6e: {  	v5 =	vshll.u32 v4, $0x1  }
0x6f: {  	v4 =	vand.u32 $0x7, v4;
	v5 =	vand.u32 $0xFFFFFFF0, v5  }
0x70: {  	v4 =	vor.u32 v4, v5  }
0x71: {  	v5 =	vperm.xlane v4, v1;
	_ =	sdelay $0x1  }
0x72: {  	v4 =	vperm.xlane v4, v3;
	v5 =	vadd.s32 v2, v5;
	_ =	sdelay $0x1  }
0x73: {  	v4 =	vadd.s32 v2, v4;
	_ =	sdelay $0x1  }
0x74: {  	s16 =	simm.s32 $0x5680  }
0x75: {  	[tilespmem:s16], [sflag:$0x1] =	stream.indirect_vreg.gather [hbm4b:s2+s3], $0x80, v5, vm0, $0xb8;
	[tilespmem:$0x18680] =	vst v63  }
0x76: {  	s19 =	simm.s32 $0x5E80  }
0x77: {  	[tilespmem:s19], [sflag:$0x1] =	stream.indirect_vreg.gather [hbm4b:s2+s3], $0x80, v4, vm0, $0xb8;
	[tilespmem:$0x18680] =	vst v63  }
0x78: {  	v4 =	vld [tilespmem:$0x60];
	_ =	sdelay $0x4  }
0x79: {  	v5 =	vshll.u32 v4, $0x1  }
0x7a: {  	v4 =	vand.u32 $0x7, v4;
	v5 =	vand.u32 $0xFFFFFFF0, v5  }
0x7b: {  	v4 =	vor.u32 v4, v5  }
0x7c: {  	v5 =	vperm.xlane v4, v1;
	_ =	sdelay $0x1  }
0x7d: {  	v4 =	vperm.xlane v4, v3;
	v5 =	vadd.s32 v2, v5;
	_ =	sdelay $0x1  }
0x7e: {  	v4 =	vadd.s32 v2, v4;
	_ =	sdelay $0x1  }
0x7f: {  	s20 =	simm.s32 $0x6680  }
0x80: {  	[tilespmem:s20], [sflag:$0x1] =	stream.indirect_vreg.gather [hbm4b:s2+s3], $0x80, v5, vm0, $0xb8;
	[tilespmem:$0x18680] =	vst v63  }
0x81: {  	s21 =	simm.s32 $0x6E80  }
0x82: {  	[tilespmem:s21], [sflag:$0x1] =	stream.indirect_vreg.gather [hbm4b:s2+s3], $0x80, v4, vm0, $0xb8;
	[tilespmem:$0x18680] =	vst v63  }
0x83: {  	v4 =	vld [tilespmem:$0x70];
	_ =	sdelay $0x4  }
0x84: {  	v5 =	vshll.u32 v4, $0x1  }
0x85: {  	v4 =	vand.u32 $0x7, v4;
	v5 =	vand.u32 $0xFFFFFFF0, v5  }
0x86: {  	v4 =	vor.u32 v4, v5  }
0x87: {  	v5 =	vperm.xlane v4, v1;
	_ =	sdelay $0x1  }
0x88: {  	v4 =	vperm.xlane v4, v3;
	v5 =	vadd.s32 v2, v5;
	_ =	sdelay $0x1  }
0x89: {  	v4 =	vadd.s32 v2, v4;
	_ =	sdelay $0x1  }
0x8a: {  	s22 =	simm.s32 $0x7680  }
0x8b: {  	[tilespmem:s22], [sflag:$0x1] =	stream.indirect_vreg.gather [hbm4b:s2+s3], $0x80, v5, vm0, $0xb8;
	[tilespmem:$0x18680] =	vst v63  }
0x8c: {  	s24 =	simm.s32 $0x7E80  }
0x8d: {  	[tilespmem:s24], [sflag:$0x1] =	stream.indirect_vreg.gather [hbm4b:s2+s3], $0x80, v4, vm0, $0xb8;
	[tilespmem:$0x18680] =	vst v63  }
0x8e: {  	v4 =	vld [tilespmem:$0x80];
	_ =	sdelay $0x4  }
0x8f: {  	v5 =	vshll.u32 v4, $0x1  }
0x90: {  	v4 =	vand.u32 $0x7, v4;
	v5 =	vand.u32 $0xFFFFFFF0, v5  }
0x91: {  	v4 =	vor.u32 v4, v5  }
0x92: {  	v5 =	vperm.xlane v4, v1;
	_ =	sdelay $0x1  }
0x93: {  	v4 =	vperm.xlane v4, v3;
	v5 =	vadd.s32 v2, v5;
	_ =	sdelay $0x1  }
0x94: {  	v4 =	vadd.s32 v2, v4;
	_ =	sdelay $0x1  }
0x95: {  	s16 =	simm.s32 $0x8680  }
0x96: {  	[tilespmem:s16], [sflag:$0x2] =	stream.indirect_vreg.gather [hbm4b:s2+s3], $0x80, v5, vm0, $0xb8;
	[tilespmem:$0x18680] =	vst v63  }
0x97: {  	s28 =	simm.s32 $0x8E80  }
0x98: {  	[tilespmem:s28], [sflag:$0x2] =	stream.indirect_vreg.gather [hbm4b:s2+s3], $0x80, v4, vm0, $0xb8;
	[tilespmem:$0x18680] =	vst v63  }
0x99: {  	v4 =	vld [tilespmem:$0x90];
	_ =	sdelay $0x4  }
0x9a: {  	v5 =	vshll.u32 v4, $0x1  }
0x9b: {  	v4 =	vand.u32 $0x7, v4;
	v5 =	vand.u32 $0xFFFFFFF0, v5  }
0x9c: {  	v4 =	vor.u32 v4, v5  }
0x9d: {  	v5 =	vperm.xlane v4, v1;
	_ =	sdelay $0x1  }
0x9e: {  	v4 =	vperm.xlane v4, v3;
	v5 =	vadd.s32 v2, v5;
	_ =	sdelay $0x1  }
0x9f: {  	v4 =	vadd.s32 v2, v4;
	_ =	sdelay $0x1  }
0xa0: {  	s31 =	simm.s32 $0x9680  }
0xa1: {  	[tilespmem:s31], [sflag:$0x2] =	stream.indirect_vreg.gather [hbm4b:s2+s3], $0x80, v5, vm0, $0xb8;
	[tilespmem:$0x18680] =	vst v63  }
0xa2: {  	s4 =	simm.s32 $0x9E80  }
0xa3: {  	[tilespmem:s4], [sflag:$0x2] =	stream.indirect_vreg.gather [hbm4b:s2+s3], $0x80, v4, vm0, $0xb8;
	[tilespmem:$0x18680] =	vst v63  }
0xa4: {  	v4 =	vld [tilespmem:$0xA0];
	_ =	sdelay $0x4  }
0xa5: {  	v5 =	vshll.u32 v4, $0x1  }
0xa6: {  	v4 =	vand.u32 $0x7, v4;
	v5 =	vand.u32 $0xFFFFFFF0, v5  }
0xa7: {  	v4 =	vor.u32 v4, v5  }
0xa8: {  	v5 =	vperm.xlane v4, v1;
	_ =	sdelay $0x1  }
0xa9: {  	v4 =	vperm.xlane v4, v3;
	v5 =	vadd.s32 v2, v5;
	_ =	sdelay $0x1  }
0xaa: {  	v4 =	vadd.s32 v2, v4;
	_ =	sdelay $0x1  }
0xab: {  	s10 =	simm.s32 $0xA680  }
0xac: {  	[tilespmem:s10], [sflag:$0x2] =	stream.indirect_vreg.gather [hbm4b:s2+s3], $0x80, v5, vm0, $0xb8;
	[tilespmem:$0x18680] =	vst v63  }
0xad: {  	s13 =	simm.s32 $0xAE80  }
0xae: {  	[tilespmem:s13], [sflag:$0x2] =	stream.indirect_vreg.gather [hbm4b:s2+s3], $0x80, v4, vm0, $0xb8;
	[tilespmem:$0x18680] =	vst v63  }
0xaf: {  	v4 =	vld [tilespmem:$0xB0];
	_ =	sdelay $0x4  }
0xb0: {  	v5 =	vshll.u32 v4, $0x1  }
0xb1: {  	v4 =	vand.u32 $0x7, v4;
	v5 =	vand.u32 $0xFFFFFFF0, v5  }
0xb2: {  	v4 =	vor.u32 v4, v5  }
0xb3: {  	v5 =	vperm.xlane v4, v1;
	_ =	sdelay $0x1  }
0xb4: {  	v4 =	vperm.xlane v4, v3;
	v5 =	vadd.s32 v2, v5;
	_ =	sdelay $0x1  }
0xb5: {  	v4 =	vadd.s32 v2, v4;
	_ =	sdelay $0x1  }
0xb6: {  	s19 =	simm.s32 $0xB680  }
0xb7: {  	[tilespmem:s19], [sflag:$0x2] =	stream.indirect_vreg.gather [hbm4b:s2+s3], $0x80, v5, vm0, $0xb8;
	[tilespmem:$0x18680] =	vst v63  }
0xb8: {  	s21 =	simm.s32 $0xBE80  }
0xb9: {  	[tilespmem:s21], [sflag:$0x2] =	stream.indirect_vreg.gather [hbm4b:s2+s3], $0x80, v4, vm0, $0xb8;
	[tilespmem:$0x18680] =	vst v63  }
0xba: {  	v4 =	vld [tilespmem:$0xC0];
	_ =	sdelay $0x4  }
0xbb: {  	v5 =	vshll.u32 v4, $0x1  }
0xbc: {  	v4 =	vand.u32 $0x7, v4;
	v5 =	vand.u32 $0xFFFFFFF0, v5  }
0xbd: {  	v4 =	vor.u32 v4, v5  }
0xbe: {  	v5 =	vperm.xlane v4, v1;
	_ =	sdelay $0x1  }
0xbf: {  	v4 =	vperm.xlane v4, v3;
	v5 =	vadd.s32 v2, v5;
	_ =	sdelay $0x1  }
0xc0: {  	v4 =	vadd.s32 v2, v4;
	_ =	sdelay $0x1  }
0xc1: {  	s28 =	simm.s32 $0xC680  }
0xc2: {  	[tilespmem:s28], [sflag:$0x2] =	stream.indirect_vreg.gather [hbm4b:s2+s3], $0x80, v5, vm0, $0xb8;
	[tilespmem:$0x18680] =	vst v63  }
0xc3: {  	s4 =	simm.s32 $0xCE80  }
0xc4: {  	[tilespmem:s4], [sflag:$0x2] =	stream.indirect_vreg.gather [hbm4b:s2+s3], $0x80, v4, vm0, $0xb8;
	[tilespmem:$0x18680] =	vst v63  }
0xc5: {  	v4 =	vld [tilespmem:$0xD0];
	_ =	sdelay $0x4  }
0xc6: {  	v5 =	vshll.u32 v4, $0x1  }
0xc7: {  	v4 =	vand.u32 $0x7, v4;
	v5 =	vand.u32 $0xFFFFFFF0, v5  }
0xc8: {  	v4 =	vor.u32 v4, v5  }
0xc9: {  	v5 =	vperm.xlane v4, v1;
	_ =	sdelay $0x1  }
0xca: {  	v4 =	vperm.xlane v4, v3;
	v5 =	vadd.s32 v2, v5;
	_ =	sdelay $0x1  }
0xcb: {  	v4 =	vadd.s32 v2, v4;
	_ =	sdelay $0x1  }
0xcc: {  	s10 =	simm.s32 $0xD680  }
0xcd: {  	[tilespmem:s10], [sflag:$0x2] =	stream.indirect_vreg.gather [hbm4b:s2+s3], $0x80, v5, vm0, $0xb8;
	[tilespmem:$0x18680] =	vst v63  }
0xce: {  	s13 =	simm.s32 $0xDE80  }
0xcf: {  	[tilespmem:s13], [sflag:$0x2] =	stream.indirect_vreg.gather [hbm4b:s2+s3], $0x80, v4, vm0, $0xb8;
	[tilespmem:$0x18680] =	vst v63  }
0xd0: {  	v4 =	vld [tilespmem:$0xE0];
	_ =	sdelay $0x4  }
0xd1: {  	v5 =	vshll.u32 v4, $0x1  }
0xd2: {  	v4 =	vand.u32 $0x7, v4;
	v5 =	vand.u32 $0xFFFFFFF0, v5  }
0xd3: {  	v4 =	vor.u32 v4, v5  }
0xd4: {  	v5 =	vperm.xlane v4, v1;
	_ =	sdelay $0x1  }
0xd5: {  	v4 =	vperm.xlane v4, v3;
	v5 =	vadd.s32 v2, v5;
	_ =	sdelay $0x1  }
0xd6: {  	v4 =	vadd.s32 v2, v4;
	_ =	sdelay $0x1  }
0xd7: {  	s19 =	simm.s32 $0xE680  }
0xd8: {  	[tilespmem:s19], [sflag:$0x2] =	stream.indirect_vreg.gather [hbm4b:s2+s3], $0x80, v5, vm0, $0xb8;
	[tilespmem:$0x18680] =	vst v63  }
0xd9: {  	s21 =	simm.s32 $0xEE80  }
0xda: {  	[tilespmem:s21], [sflag:$0x2] =	stream.indirect_vreg.gather [hbm4b:s2+s3], $0x80, v4, vm0, $0xb8;
	[tilespmem:$0x18680] =	vst v63  }
0xdb: {  	v4 =	vld [tilespmem:$0xF0];
	_ =	sdelay $0x4  }
0xdc: {  	v5 =	vshll.u32 v4, $0x1  }
0xdd: {  	v4 =	vand.u32 $0x7, v4;
	v5 =	vand.u32 $0xFFFFFFF0, v5  }
0xde: {  	v4 =	vor.u32 v4, v5  }
0xdf: {  	v5 =	vperm.xlane v4, v1;
	_ =	sdelay $0x1  }
0xe0: {  	v4 =	vperm.xlane v4, v3;
	v5 =	vadd.s32 v2, v5;
	_ =	sdelay $0x1  }
0xe1: {  	v4 =	vadd.s32 v2, v4;
	_ =	sdelay $0x1  }
0xe2: {  	s28 =	simm.s32 $0xF680  }
0xe3: {  	[tilespmem:s28], [sflag:$0x2] =	stream.indirect_vreg.gather [hbm4b:s2+s3], $0x80, v5, vm0, $0xb8;
	[tilespmem:$0x18680] =	vst v63  }
0xe4: {  	s4 =	simm.s32 $0xFE80  }
0xe5: {  	[tilespmem:s4], [sflag:$0x2] =	stream.indirect_vreg.gather [hbm4b:s2+s3], $0x80, v4, vm0, $0xb8;
	[tilespmem:$0x18680] =	vst v63  }
0xe6: {  	v4 =	vld [tilespmem:$0x100];
	_ =	sdelay $0x4  }
0xe7: {  	v5 =	vshll.u32 v4, $0x1  }
0xe8: {  	v4 =	vand.u32 $0x7, v4;
	v5 =	vand.u32 $0xFFFFFFF0, v5  }
0xe9: {  	v4 =	vor.u32 v4, v5  }
0xea: {  	v5 =	vperm.xlane v4, v1;
	_ =	sdelay $0x1  }
0xeb: {  	v4 =	vperm.xlane v4, v3;
	v5 =	vadd.s32 v2, v5;
	_ =	sdelay $0x1  }
0xec: {  	v4 =	vadd.s32 v2, v4;
	_ =	sdelay $0x1  }
0xed: {  	s0 =	simm.s32 $0x10680  }
0xee: {  	[tilespmem:s0], [sflag:$0x3] =	stream.indirect_vreg.gather [hbm4b:s2+s3], $0x80, v5, vm0, $0xb8;
	[tilespmem:$0x18680] =	vst v63  }
0xef: {  	s4 =	simm.s32 $0x10E80  }
0xf0: {  	[tilespmem:s4], [sflag:$0x3] =	stream.indirect_vreg.gather [hbm4b:s2+s3], $0x80, v4, vm0, $0xb8;
	[tilespmem:$0x18680] =	vst v63  }
0xf1: {  	v4 =	vld [tilespmem:$0x110];
	_ =	sdelay $0x4  }
0xf2: {  	v5 =	vshll.u32 v4, $0x1  }
0xf3: {  	v4 =	vand.u32 $0x7, v4;
	v5 =	vand.u32 $0xFFFFFFF0, v5  }
0xf4: {  	v4 =	vor.u32 v4, v5  }
0xf5: {  	v5 =	vperm.xlane v4, v1;
	_ =	sdelay $0x1  }
0xf6: {  	v4 =	vperm.xlane v4, v3;
	v5 =	vadd.s32 v2, v5;
	_ =	sdelay $0x1  }
0xf7: {  	v4 =	vadd.s32 v2, v4;
	_ =	sdelay $0x1  }
0xf8: {  	s10 =	simm.s32 $0x11680  }
0xf9: {  	[tilespmem:s10], [sflag:$0x3] =	stream.indirect_vreg.gather [hbm4b:s2+s3], $0x80, v5, vm0, $0xb8;
	[tilespmem:$0x18680] =	vst v63  }
0xfa: {  	s13 =	simm.s32 $0x11E80  }
0xfb: {  	[tilespmem:s13], [sflag:$0x3] =	stream.indirect_vreg.gather [hbm4b:s2+s3], $0x80, v4, vm0, $0xb8;
	[tilespmem:$0x18680] =	vst v63  }
0xfc: {  	v4 =	vld [tilespmem:$0x120];
	_ =	sdelay $0x4  }
0xfd: {  	v5 =	vshll.u32 v4, $0x1  }
0xfe: {  	v4 =	vand.u32 $0x7, v4;
	v5 =	vand.u32 $0xFFFFFFF0, v5  }
0xff: {  	v4 =	vor.u32 v4, v5  }
0x100: {  	v5 =	vperm.xlane v4, v1;
	_ =	sdelay $0x1  }
0x101: {  	v4 =	vperm.xlane v4, v3;
	v5 =	vadd.s32 v2, v5;
	_ =	sdelay $0x1  }
0x102: {  	v4 =	vadd.s32 v2, v4;
	_ =	sdelay $0x1  }
0x103: {  	s28 =	simm.s32 $0x12680  }
0x104: {  	[tilespmem:s28], [sflag:$0x3] =	stream.indirect_vreg.gather [hbm4b:s2+s3], $0x80, v5, vm0, $0xb8;
	[tilespmem:$0x18680] =	vst v63  }
0x105: {  	s10 =	simm.s32 $0x12E80  }
0x106: {  	[tilespmem:s10], [sflag:$0x3] =	stream.indirect_vreg.gather [hbm4b:s2+s3], $0x80, v4, vm0, $0xb8;
	[tilespmem:$0x18680] =	vst v63  }
0x107: {  	v4 =	vld [tilespmem:$0x130];
	_ =	sdelay $0x4  }
0x108: {  	v5 =	vshll.u32 v4, $0x1  }
0x109: {  	v4 =	vand.u32 $0x7, v4;
	v5 =	vand.u32 $0xFFFFFFF0, v5  }
0x10a: {  	v4 =	vor.u32 v4, v5  }
0x10b: {  	v5 =	vperm.xlane v4, v1;
	_ =	sdelay $0x1  }
0x10c: {  	v4 =	vperm.xlane v4, v3;
	v5 =	vadd.s32 v2, v5;
	_ =	sdelay $0x1  }
0x10d: {  	v4 =	vadd.s32 v2, v4;
	_ =	sdelay $0x1  }
0x10e: {  	s13 =	simm.s32 $0x13680  }
0x10f: {  	[tilespmem:s13], [sflag:$0x3] =	stream.indirect_vreg.gather [hbm4b:s2+s3], $0x80, v5, vm0, $0xb8;
	[tilespmem:$0x18680] =	vst v63  }
0x110: {  	s28 =	simm.s32 $0x13E80  }
0x111: {  	[tilespmem:s28], [sflag:$0x3] =	stream.indirect_vreg.gather [hbm4b:s2+s3], $0x80, v4, vm0, $0xb8;
	[tilespmem:$0x18680] =	vst v63  }
0x112: {  	v4 =	vld [tilespmem:$0x140];
	_ =	sdelay $0x4  }
0x113: {  	v5 =	vshll.u32 v4, $0x1  }
0x114: {  	v4 =	vand.u32 $0x7, v4;
	v5 =	vand.u32 $0xFFFFFFF0, v5  }
0x115: {  	v4 =	vor.u32 v4, v5  }
0x116: {  	v5 =	vperm.xlane v4, v1;
	_ =	sdelay $0x1  }
0x117: {  	v4 =	vperm.xlane v4, v3;
	v5 =	vadd.s32 v2, v5;
	_ =	sdelay $0x1  }
0x118: {  	v4 =	vadd.s32 v2, v4;
	_ =	sdelay $0x1  }
0x119: {  	s10 =	simm.s32 $0x14680  }
0x11a: {  	[tilespmem:s10], [sflag:$0x3] =	stream.indirect_vreg.gather [hbm4b:s2+s3], $0x80, v5, vm0, $0xb8;
	[tilespmem:$0x18680] =	vst v63  }
0x11b: {  	s13 =	simm.s32 $0x14E80  }
0x11c: {  	[tilespmem:s13], [sflag:$0x3] =	stream.indirect_vreg.gather [hbm4b:s2+s3], $0x80, v4, vm0, $0xb8;
	[tilespmem:$0x18680] =	vst v63  }
0x11d: {  	v4 =	vld [tilespmem:$0x150];
	_ =	sdelay $0x4  }
0x11e: {  	v5 =	vshll.u32 v4, $0x1  }
0x11f: {  	v4 =	vand.u32 $0x7, v4;
	v5 =	vand.u32 $0xFFFFFFF0, v5  }
0x120: {  	v4 =	vor.u32 v4, v5  }
0x121: {  	v5 =	vperm.xlane v4, v1;
	_ =	sdelay $0x1  }
0x122: {  	v4 =	vperm.xlane v4, v3;
	v5 =	vadd.s32 v2, v5;
	_ =	sdelay $0x1  }
0x123: {  	v4 =	vadd.s32 v2, v4;
	_ =	sdelay $0x1  }
0x124: {  	s28 =	simm.s32 $0x15680  }
0x125: {  	[tilespmem:s28], [sflag:$0x3] =	stream.indirect_vreg.gather [hbm4b:s2+s3], $0x80, v5, vm0, $0xb8;
	[tilespmem:$0x18680] =	vst v63  }
0x126: {  	s10 =	simm.s32 $0x15E80  }
0x127: {  	[tilespmem:s10], [sflag:$0x3] =	stream.indirect_vreg.gather [hbm4b:s2+s3], $0x80, v4, vm0, $0xb8;
	[tilespmem:$0x18680] =	vst v63  }
0x128: {  	v4 =	vld [tilespmem:$0x160];
	_ =	sdelay $0x4  }
0x129: {  	v5 =	vshll.u32 v4, $0x1  }
0x12a: {  	v4 =	vand.u32 $0x7, v4;
	v5 =	vand.u32 $0xFFFFFFF0, v5  }
0x12b: {  	v4 =	vor.u32 v4, v5  }
0x12c: {  	v5 =	vperm.xlane v4, v1;
	_ =	sdelay $0x1  }
0x12d: {  	v4 =	vperm.xlane v4, v3;
	v5 =	vadd.s32 v2, v5;
	_ =	sdelay $0x1  }
0x12e: {  	v4 =	vadd.s32 v2, v4;
	_ =	sdelay $0x1  }
0x12f: {  	s13 =	simm.s32 $0x16680  }
0x130: {  	[tilespmem:s13], [sflag:$0x3] =	stream.indirect_vreg.gather [hbm4b:s2+s3], $0x80, v5, vm0, $0xb8;
	[tilespmem:$0x18680] =	vst v63  }
0x131: {  	s28 =	simm.s32 $0x16E80  }
0x132: {  	[tilespmem:s28], [sflag:$0x3] =	stream.indirect_vreg.gather [hbm4b:s2+s3], $0x80, v4, vm0, $0xb8;
	[tilespmem:$0x18680] =	vst v63  }
0x133: {  	v4 =	vld [tilespmem:$0x170];
	_ =	sdelay $0x4  }
0x134: {  	v5 =	vshll.u32 v4, $0x1  }
0x135: {  	v4 =	vand.u32 $0x7, v4;
	v5 =	vand.u32 $0xFFFFFFF0, v5  }
0x136: {  	v4 =	vor.u32 v4, v5  }
0x137: {  	v5 =	vperm.xlane v4, v1;
	_ =	sdelay $0x1  }
0x138: {  	v4 =	vperm.xlane v4, v3;
	v5 =	vadd.s32 v2, v5;
	_ =	sdelay $0x1  }
0x139: {  	v4 =	vadd.s32 v2, v4;
	_ =	sdelay $0x1  }
0x13a: {  	s10 =	simm.s32 $0x17680  }
0x13b: {  	[tilespmem:s10], [sflag:$0x3] =	stream.indirect_vreg.gather [hbm4b:s2+s3], $0x80, v5, vm0, $0xb8;
	[tilespmem:$0x18680] =	vst v63  }
0x13c: {  	s13 =	simm.s32 $0x17E80  }
0x13d: {  	[tilespmem:s13], [sflag:$0x3] =	stream.indirect_vreg.gather [hbm4b:s2+s3], $0x80, v4, vm0, $0xb8;
	[tilespmem:$0x18680] =	vst v63  }
0x13e: {  	_ =	swait.ge [sflag:s7], $0x8000  }
0x13f: {  	[sflag:s7] =	ssyncset.done $0x0  }
0x140: {  	s5 =	simm.s32 $0x680;
	s28 =	rddreg [dreg:$0x7];
	[sflag:s7] =	ssyncadd.s32 $0xFFFF8000  }
0x141: {  	[hbm4b:s28+s3] =	stream.linear.scatter [tilespmem:s5], [sflag:$0x4], $0x8000, $0x38;
	[tilespmem:$0x18680] =	vst v63  }
0x142: {  	_ =	swait.ge [sflag:s12], $0x8000  }
0x143: {  	[sflag:s12] =	ssyncset.done $0x0  }
0x144: {  	[sflag:s12] =	ssyncadd.s32 $0xFFFF8000  }
0x145: {  	v4 =	vld [tilespmem:$0x180];
	_ =	sdelay $0x4  }
0x146: {  	v5 =	vshll.u32 v4, $0x1  }
0x147: {  	v4 =	vand.u32 $0x7, v4;
	v5 =	vand.u32 $0xFFFFFFF0, v5  }
0x148: {  	v4 =	vor.u32 v4, v5  }
0x149: {  	v5 =	vperm.xlane v4, v1;
	_ =	sdelay $0x1  }
0x14a: {  	v4 =	vperm.xlane v4, v3;
	v5 =	vadd.s32 v2, v5;
	_ =	sdelay $0x1  }
0x14b: {  	v4 =	vadd.s32 v2, v4;
	_ =	sdelay $0x2  }
0x14c: {  	[tilespmem:s5], [sflag:$0x1] =	stream.indirect_vreg.gather [hbm4b:s2+s3], $0x80, v5, vm0, $0xb8;
	[tilespmem:$0x18680] =	vst v63  }
0x14d: {  	s6 =	simm.s32 $0xE80  }
0x14e: {  	[tilespmem:s6], [sflag:$0x1] =	stream.indirect_vreg.gather [hbm4b:s2+s3], $0x80, v4, vm0, $0xb8;
	[tilespmem:$0x18680] =	vst v63  }
0x14f: {  	v4 =	vld [tilespmem:$0x190];
	_ =	sdelay $0x4  }
0x150: {  	v5 =	vshll.u32 v4, $0x1  }
0x151: {  	v4 =	vand.u32 $0x7, v4;
	v5 =	vand.u32 $0xFFFFFFF0, v5  }
0x152: {  	v4 =	vor.u32 v4, v5  }
0x153: {  	v5 =	vperm.xlane v4, v1;
	_ =	sdelay $0x1  }
0x154: {  	v4 =	vperm.xlane v4, v3;
	v5 =	vadd.s32 v2, v5;
	_ =	sdelay $0x1  }
0x155: {  	v4 =	vadd.s32 v2, v4;
	_ =	sdelay $0x1  }
0x156: {  	s26 =	simm.s32 $0x1680  }
0x157: {  	[tilespmem:s26], [sflag:$0x1] =	stream.indirect_vreg.gather [hbm4b:s2+s3], $0x80, v5, vm0, $0xb8;
	[tilespmem:$0x18680] =	vst v63  }
0x158: {  	s8 =	simm.s32 $0x1E80  }
0x159: {  	[tilespmem:s8], [sflag:$0x1] =	stream.indirect_vreg.gather [hbm4b:s2+s3], $0x80, v4, vm0, $0xb8;
	[tilespmem:$0x18680] =	vst v63  }
0x15a: {  	v4 =	vld [tilespmem:$0x1A0];
	_ =	sdelay $0x4  }
0x15b: {  	v5 =	vshll.u32 v4, $0x1  }
0x15c: {  	v4 =	vand.u32 $0x7, v4;
	v5 =	vand.u32 $0xFFFFFFF0, v5  }
0x15d: {  	v4 =	vor.u32 v4, v5  }
0x15e: {  	v5 =	vperm.xlane v4, v1;
	_ =	sdelay $0x1  }
0x15f: {  	v4 =	vperm.xlane v4, v3;
	v5 =	vadd.s32 v2, v5;
	_ =	sdelay $0x1  }
0x160: {  	v4 =	vadd.s32 v2, v4;
	_ =	sdelay $0x1  }
0x161: {  	s29 =	simm.s32 $0x2680  }
0x162: {  	[tilespmem:s29], [sflag:$0x1] =	stream.indirect_vreg.gather [hbm4b:s2+s3], $0x80, v5, vm0, $0xb8;
	[tilespmem:$0x18680] =	vst v63  }
0x163: {  	s9 =	simm.s32 $0x2E80  }
0x164: {  	[tilespmem:s9], [sflag:$0x1] =	stream.indirect_vreg.gather [hbm4b:s2+s3], $0x80, v4, vm0, $0xb8;
	[tilespmem:$0x18680] =	vst v63  }
0x165: {  	v4 =	vld [tilespmem:$0x1B0];
	_ =	sdelay $0x4  }
0x166: {  	v5 =	vshll.u32 v4, $0x1  }
0x167: {  	v4 =	vand.u32 $0x7, v4;
	v5 =	vand.u32 $0xFFFFFFF0, v5  }
0x168: {  	v4 =	vor.u32 v4, v5  }
0x169: {  	v5 =	vperm.xlane v4, v1;
	_ =	sdelay $0x1  }
0x16a: {  	v4 =	vperm.xlane v4, v3;
	v5 =	vadd.s32 v2, v5;
	_ =	sdelay $0x1  }
0x16b: {  	v4 =	vadd.s32 v2, v4;
	_ =	sdelay $0x1  }
0x16c: {  	s30 =	simm.s32 $0x3680  }
0x16d: {  	[tilespmem:s30], [sflag:$0x1] =	stream.indirect_vreg.gather [hbm4b:s2+s3], $0x80, v5, vm0, $0xb8;
	[tilespmem:$0x18680] =	vst v63  }
0x16e: {  	s10 =	simm.s32 $0x3E80  }
0x16f: {  	[tilespmem:s10], [sflag:$0x1] =	stream.indirect_vreg.gather [hbm4b:s2+s3], $0x80, v4, vm0, $0xb8;
	[tilespmem:$0x18680] =	vst v63  }
0x170: {  	v4 =	vld [tilespmem:$0x1C0];
	_ =	sdelay $0x4  }
0x171: {  	v5 =	vshll.u32 v4, $0x1  }
0x172: {  	v4 =	vand.u32 $0x7, v4;
	v5 =	vand.u32 $0xFFFFFFF0, v5  }
0x173: {  	v4 =	vor.u32 v4, v5  }
0x174: {  	v5 =	vperm.xlane v4, v1;
	_ =	sdelay $0x1  }
0x175: {  	v4 =	vperm.xlane v4, v3;
	v5 =	vadd.s32 v2, v5;
	_ =	sdelay $0x1  }
0x176: {  	v4 =	vadd.s32 v2, v4;
	_ =	sdelay $0x1  }
0x177: {  	s6 =	simm.s32 $0x4680  }
0x178: {  	[tilespmem:s6], [sflag:$0x1] =	stream.indirect_vreg.gather [hbm4b:s2+s3], $0x80, v5, vm0, $0xb8;
	[tilespmem:$0x18680] =	vst v63  }
0x179: {  	s28 =	simm.s32 $0x4E80  }
0x17a: {  	[tilespmem:s28], [sflag:$0x1] =	stream.indirect_vreg.gather [hbm4b:s2+s3], $0x80, v4, vm0, $0xb8;
	[tilespmem:$0x18680] =	vst v63  }
0x17b: {  	v4 =	vld [tilespmem:$0x1D0];
	_ =	sdelay $0x4  }
0x17c: {  	v5 =	vshll.u32 v4, $0x1  }
0x17d: {  	v4 =	vand.u32 $0x7, v4;
	v5 =	vand.u32 $0xFFFFFFF0, v5  }
0x17e: {  	v4 =	vor.u32 v4, v5  }
0x17f: {  	v5 =	vperm.xlane v4, v1;
	_ =	sdelay $0x1  }
0x180: {  	v4 =	vperm.xlane v4, v3;
	v5 =	vadd.s32 v2, v5;
	_ =	sdelay $0x1  }
0x181: {  	v4 =	vadd.s32 v2, v4;
	_ =	sdelay $0x1  }
0x182: {  	s1 =	simm.s32 $0x5680  }
0x183: {  	[tilespmem:s1], [sflag:$0x1] =	stream.indirect_vreg.gather [hbm4b:s2+s3], $0x80, v5, vm0, $0xb8;
	[tilespmem:$0x18680] =	vst v63  }
0x184: {  	s8 =	simm.s32 $0x5E80  }
0x185: {  	[tilespmem:s8], [sflag:$0x1] =	stream.indirect_vreg.gather [hbm4b:s2+s3], $0x80, v4, vm0, $0xb8;
	[tilespmem:$0x18680] =	vst v63  }
0x186: {  	v4 =	vld [tilespmem:$0x1E0];
	_ =	sdelay $0x4  }
0x187: {  	v5 =	vshll.u32 v4, $0x1  }
0x188: {  	v4 =	vand.u32 $0x7, v4;
	v5 =	vand.u32 $0xFFFFFFF0, v5  }
0x189: {  	v4 =	vor.u32 v4, v5  }
0x18a: {  	v5 =	vperm.xlane v4, v1;
	_ =	sdelay $0x1  }
0x18b: {  	v4 =	vperm.xlane v4, v3;
	v5 =	vadd.s32 v2, v5;
	_ =	sdelay $0x1  }
0x18c: {  	v4 =	vadd.s32 v2, v4;
	_ =	sdelay $0x1  }
0x18d: {  	s23 =	simm.s32 $0x6680  }
0x18e: {  	[tilespmem:s23], [sflag:$0x1] =	stream.indirect_vreg.gather [hbm4b:s2+s3], $0x80, v5, vm0, $0xb8;
	[tilespmem:$0x18680] =	vst v63  }
0x18f: {  	s9 =	simm.s32 $0x6E80  }
0x190: {  	[tilespmem:s9], [sflag:$0x1] =	stream.indirect_vreg.gather [hbm4b:s2+s3], $0x80, v4, vm0, $0xb8;
	[tilespmem:$0x18680] =	vst v63  }
0x191: {  	v4 =	vld [tilespmem:$0x1F0];
	_ =	sdelay $0x4  }
0x192: {  	v5 =	vshll.u32 v4, $0x1  }
0x193: {  	v4 =	vand.u32 $0x7, v4;
	v5 =	vand.u32 $0xFFFFFFF0, v5  }
0x194: {  	v4 =	vor.u32 v4, v5  }
0x195: {  	v5 =	vperm.xlane v4, v1;
	_ =	sdelay $0x1  }
0x196: {  	v4 =	vperm.xlane v4, v3;
	v5 =	vadd.s32 v2, v5;
	_ =	sdelay $0x1  }
0x197: {  	v4 =	vadd.s32 v2, v4;
	_ =	sdelay $0x1  }
0x198: {  	s25 =	simm.s32 $0x7680  }
0x199: {  	[tilespmem:s25], [sflag:$0x1] =	stream.indirect_vreg.gather [hbm4b:s2+s3], $0x80, v5, vm0, $0xb8;
	[tilespmem:$0x18680] =	vst v63  }
0x19a: {  	s13 =	simm.s32 $0x7E80  }
0x19b: {  	[tilespmem:s13], [sflag:$0x1] =	stream.indirect_vreg.gather [hbm4b:s2+s3], $0x80, v4, vm0, $0xb8;
	[tilespmem:$0x18680] =	vst v63  }
0x19c: {  	_ =	swait.ge [sflag:s11], $0x8000  }
0x19d: {  	[sflag:s11] =	ssyncset.done $0x0  }
0x19e: {  	s1 =	rddreg [dreg:$0x8];
	[sflag:s11] =	ssyncadd.s32 $0xFFFF8000  }
0x19f: {  	[hbm4b:s1+s3] =	stream.linear.scatter [tilespmem:s16], [sflag:$0x5], $0x8000, $0x38;
	[tilespmem:$0x18680] =	vst v63  }
0x1a0: {  	_ =	swait.ge [sflag:s14], $0x8000  }
0x1a1: {  	[sflag:s14] =	ssyncset.done $0x0  }
0x1a2: {  	[sflag:s14] =	ssyncadd.s32 $0xFFFF8000  }
0x1a3: {  	v4 =	vld [tilespmem:$0x200];
	_ =	sdelay $0x4  }
0x1a4: {  	v5 =	vshll.u32 v4, $0x1  }
0x1a5: {  	v4 =	vand.u32 $0x7, v4;
	v5 =	vand.u32 $0xFFFFFFF0, v5  }
0x1a6: {  	v4 =	vor.u32 v4, v5  }
0x1a7: {  	v5 =	vperm.xlane v4, v1;
	_ =	sdelay $0x1  }
0x1a8: {  	v4 =	vperm.xlane v4, v3;
	v5 =	vadd.s32 v2, v5;
	_ =	sdelay $0x1  }
0x1a9: {  	v4 =	vadd.s32 v2, v4;
	_ =	sdelay $0x2  }
0x1aa: {  	[tilespmem:s16], [sflag:$0x2] =	stream.indirect_vreg.gather [hbm4b:s2+s3], $0x80, v5, vm0, $0xb8;
	[tilespmem:$0x18680] =	vst v63  }
0x1ab: {  	s20 =	simm.s32 $0x8E80  }
0x1ac: {  	[tilespmem:s20], [sflag:$0x2] =	stream.indirect_vreg.gather [hbm4b:s2+s3], $0x80, v4, vm0, $0xb8;
	[tilespmem:$0x18680] =	vst v63  }
0x1ad: {  	v4 =	vld [tilespmem:$0x210];
	_ =	sdelay $0x4  }
0x1ae: {  	v5 =	vshll.u32 v4, $0x1  }
0x1af: {  	v4 =	vand.u32 $0x7, v4;
	v5 =	vand.u32 $0xFFFFFFF0, v5  }
0x1b0: {  	v4 =	vor.u32 v4, v5  }
0x1b1: {  	v5 =	vperm.xlane v4, v1;
	_ =	sdelay $0x1  }
0x1b2: {  	v4 =	vperm.xlane v4, v3;
	v5 =	vadd.s32 v2, v5;
	_ =	sdelay $0x1  }
0x1b3: {  	v4 =	vadd.s32 v2, v4;
	_ =	sdelay $0x1  }
0x1b4: {  	s23 =	simm.s32 $0x9680  }
0x1b5: {  	[tilespmem:s23], [sflag:$0x2] =	stream.indirect_vreg.gather [hbm4b:s2+s3], $0x80, v5, vm0, $0xb8;
	[tilespmem:$0x18680] =	vst v63  }
0x1b6: {  	s22 =	simm.s32 $0x9E80  }
0x1b7: {  	[tilespmem:s22], [sflag:$0x2] =	stream.indirect_vreg.gather [hbm4b:s2+s3], $0x80, v4, vm0, $0xb8;
	[tilespmem:$0x18680] =	vst v63  }
0x1b8: {  	v4 =	vld [tilespmem:$0x220];
	_ =	sdelay $0x4  }
0x1b9: {  	v5 =	vshll.u32 v4, $0x1  }
0x1ba: {  	v4 =	vand.u32 $0x7, v4;
	v5 =	vand.u32 $0xFFFFFFF0, v5  }
0x1bb: {  	v4 =	vor.u32 v4, v5  }
0x1bc: {  	v5 =	vperm.xlane v4, v1;
	_ =	sdelay $0x1  }
0x1bd: {  	v4 =	vperm.xlane v4, v3;
	v5 =	vadd.s32 v2, v5;
	_ =	sdelay $0x1  }
0x1be: {  	v4 =	vadd.s32 v2, v4;
	_ =	sdelay $0x1  }
0x1bf: {  	s29 =	simm.s32 $0xA680  }
0x1c0: {  	[tilespmem:s29], [sflag:$0x2] =	stream.indirect_vreg.gather [hbm4b:s2+s3], $0x80, v5, vm0, $0xb8;
	[tilespmem:$0x18680] =	vst v63  }
0x1c1: {  	s24 =	simm.s32 $0xAE80  }
0x1c2: {  	[tilespmem:s24], [sflag:$0x2] =	stream.indirect_vreg.gather [hbm4b:s2+s3], $0x80, v4, vm0, $0xb8;
	[tilespmem:$0x18680] =	vst v63  }
0x1c3: {  	v4 =	vld [tilespmem:$0x230];
	_ =	sdelay $0x4  }
0x1c4: {  	v5 =	vshll.u32 v4, $0x1  }
0x1c5: {  	v4 =	vand.u32 $0x7, v4;
	v5 =	vand.u32 $0xFFFFFFF0, v5  }
0x1c6: {  	v4 =	vor.u32 v4, v5  }
0x1c7: {  	v5 =	vperm.xlane v4, v1;
	_ =	sdelay $0x1  }
0x1c8: {  	v4 =	vperm.xlane v4, v3;
	v5 =	vadd.s32 v2, v5;
	_ =	sdelay $0x1  }
0x1c9: {  	v4 =	vadd.s32 v2, v4;
	_ =	sdelay $0x1  }
0x1ca: {  	s30 =	simm.s32 $0xB680  }
0x1cb: {  	[tilespmem:s30], [sflag:$0x2] =	stream.indirect_vreg.gather [hbm4b:s2+s3], $0x80, v5, vm0, $0xb8;
	[tilespmem:$0x18680] =	vst v63  }
0x1cc: {  	s31 =	simm.s32 $0xBE80  }
0x1cd: {  	[tilespmem:s31], [sflag:$0x2] =	stream.indirect_vreg.gather [hbm4b:s2+s3], $0x80, v4, vm0, $0xb8;
	[tilespmem:$0x18680] =	vst v63  }
0x1ce: {  	v4 =	vld [tilespmem:$0x240];
	_ =	sdelay $0x4  }
0x1cf: {  	v5 =	vshll.u32 v4, $0x1  }
0x1d0: {  	v4 =	vand.u32 $0x7, v4;
	v5 =	vand.u32 $0xFFFFFFF0, v5  }
0x1d1: {  	v4 =	vor.u32 v4, v5  }
0x1d2: {  	v5 =	vperm.xlane v4, v1;
	_ =	sdelay $0x1  }
0x1d3: {  	v4 =	vperm.xlane v4, v3;
	v5 =	vadd.s32 v2, v5;
	_ =	sdelay $0x1  }
0x1d4: {  	v4 =	vadd.s32 v2, v4;
	_ =	sdelay $0x1  }
0x1d5: {  	s31 =	simm.s32 $0xC680  }
0x1d6: {  	[tilespmem:s31], [sflag:$0x2] =	stream.indirect_vreg.gather [hbm4b:s2+s3], $0x80, v5, vm0, $0xb8;
	[tilespmem:$0x18680] =	vst v63  }
0x1d7: {  	s25 =	simm.s32 $0xCE80  }
0x1d8: {  	[tilespmem:s25], [sflag:$0x2] =	stream.indirect_vreg.gather [hbm4b:s2+s3], $0x80, v4, vm0, $0xb8;
	[tilespmem:$0x18680] =	vst v63  }
0x1d9: {  	v4 =	vld [tilespmem:$0x250];
	_ =	sdelay $0x4  }
0x1da: {  	v5 =	vshll.u32 v4, $0x1  }
0x1db: {  	v4 =	vand.u32 $0x7, v4;
	v5 =	vand.u32 $0xFFFFFFF0, v5  }
0x1dc: {  	v4 =	vor.u32 v4, v5  }
0x1dd: {  	v5 =	vperm.xlane v4, v1;
	_ =	sdelay $0x1  }
0x1de: {  	v4 =	vperm.xlane v4, v3;
	v5 =	vadd.s32 v2, v5;
	_ =	sdelay $0x1  }
0x1df: {  	v4 =	vadd.s32 v2, v4;
	_ =	sdelay $0x1  }
0x1e0: {  	s20 =	simm.s32 $0xD680  }
0x1e1: {  	[tilespmem:s20], [sflag:$0x2] =	stream.indirect_vreg.gather [hbm4b:s2+s3], $0x80, v5, vm0, $0xb8;
	[tilespmem:$0x18680] =	vst v63  }
0x1e2: {  	s26 =	simm.s32 $0xDE80  }
0x1e3: {  	[tilespmem:s26], [sflag:$0x2] =	stream.indirect_vreg.gather [hbm4b:s2+s3], $0x80, v4, vm0, $0xb8;
	[tilespmem:$0x18680] =	vst v63  }
0x1e4: {  	v4 =	vld [tilespmem:$0x260];
	_ =	sdelay $0x4  }
0x1e5: {  	v5 =	vshll.u32 v4, $0x1  }
0x1e6: {  	v4 =	vand.u32 $0x7, v4;
	v5 =	vand.u32 $0xFFFFFFF0, v5  }
0x1e7: {  	v4 =	vor.u32 v4, v5  }
0x1e8: {  	v5 =	vperm.xlane v4, v1;
	_ =	sdelay $0x1  }
0x1e9: {  	v4 =	vperm.xlane v4, v3;
	v5 =	vadd.s32 v2, v5;
	_ =	sdelay $0x1  }
0x1ea: {  	v4 =	vadd.s32 v2, v4;
	_ =	sdelay $0x1  }
0x1eb: {  	s22 =	simm.s32 $0xE680  }
0x1ec: {  	[tilespmem:s22], [sflag:$0x2] =	stream.indirect_vreg.gather [hbm4b:s2+s3], $0x80, v5, vm0, $0xb8;
	[tilespmem:$0x18680] =	vst v63  }
0x1ed: {  	s1 =	simm.s32 $0xEE80  }
0x1ee: {  	[tilespmem:s1], [sflag:$0x2] =	stream.indirect_vreg.gather [hbm4b:s2+s3], $0x80, v4, vm0, $0xb8;
	[tilespmem:$0x18680] =	vst v63  }
0x1ef: {  	v4 =	vld [tilespmem:$0x270];
	_ =	sdelay $0x4  }
0x1f0: {  	v5 =	vshll.u32 v4, $0x1  }
0x1f1: {  	v4 =	vand.u32 $0x7, v4;
	v5 =	vand.u32 $0xFFFFFFF0, v5  }
0x1f2: {  	v4 =	vor.u32 v4, v5  }
0x1f3: {  	v5 =	vperm.xlane v4, v1;
	_ =	sdelay $0x1  }
0x1f4: {  	v4 =	vperm.xlane v4, v3;
	v5 =	vadd.s32 v2, v5;
	_ =	sdelay $0x1  }
0x1f5: {  	v4 =	vadd.s32 v2, v4;
	_ =	sdelay $0x1  }
0x1f6: {  	s24 =	simm.s32 $0xF680  }
0x1f7: {  	[tilespmem:s24], [sflag:$0x2] =	stream.indirect_vreg.gather [hbm4b:s2+s3], $0x80, v5, vm0, $0xb8;
	[tilespmem:$0x18680] =	vst v63  }
0x1f8: {  	s19 =	simm.s32 $0xFE80  }
0x1f9: {  	[tilespmem:s19], [sflag:$0x2] =	stream.indirect_vreg.gather [hbm4b:s2+s3], $0x80, v4, vm0, $0xb8;
	[tilespmem:$0x18680] =	vst v63  }
0x1fa: {  	_ =	swait.ge [sflag:s15], $0x8000  }
0x1fb: {  	[sflag:s15] =	ssyncset.done $0x0  }
0x1fc: {  	s19 =	rddreg [dreg:$0x9];
	[sflag:s15] =	ssyncadd.s32 $0xFFFF8000  }
0x1fd: {  	[hbm4b:s19+s3] =	stream.linear.scatter [tilespmem:s0], [sflag:$0x6], $0x8000, $0x38;
	[tilespmem:$0x18680] =	vst v63  }
0x1fe: {  	_ =	swait.ge [sflag:s17], $0x8000  }
0x1ff: {  	[sflag:s17] =	ssyncset.done $0x0  }
0x200: {  	[sflag:s17] =	ssyncadd.s32 $0xFFFF8000  }
0x201: {  	v4 =	vld [tilespmem:$0x280];
	_ =	sdelay $0x4  }
0x202: {  	v5 =	vshll.u32 v4, $0x1  }
0x203: {  	v4 =	vand.u32 $0x7, v4;
	v5 =	vand.u32 $0xFFFFFFF0, v5  }
0x204: {  	v4 =	vor.u32 v4, v5  }
0x205: {  	v5 =	vperm.xlane v4, v1;
	_ =	sdelay $0x1  }
0x206: {  	v4 =	vperm.xlane v4, v3;
	v5 =	vadd.s32 v2, v5;
	_ =	sdelay $0x1  }
0x207: {  	v4 =	vadd.s32 v2, v4;
	_ =	sdelay $0x2  }
0x208: {  	[tilespmem:s0], [sflag:$0x3] =	stream.indirect_vreg.gather [hbm4b:s2+s3], $0x80, v5, vm0, $0xb8;
	[tilespmem:$0x18680] =	vst v63  }
0x209: {  	s21 =	simm.s32 $0x10E80  }
0x20a: {  	[tilespmem:s21], [sflag:$0x3] =	stream.indirect_vreg.gather [hbm4b:s2+s3], $0x80, v4, vm0, $0xb8;
	[tilespmem:$0x18680] =	vst v63  }
0x20b: {  	v4 =	vld [tilespmem:$0x290];
	_ =	sdelay $0x4  }
0x20c: {  	v5 =	vshll.u32 v4, $0x1  }
0x20d: {  	v4 =	vand.u32 $0x7, v4;
	v5 =	vand.u32 $0xFFFFFFF0, v5  }
0x20e: {  	v4 =	vor.u32 v4, v5  }
0x20f: {  	v5 =	vperm.xlane v4, v1;
	_ =	sdelay $0x1  }
0x210: {  	v4 =	vperm.xlane v4, v3;
	v5 =	vadd.s32 v2, v5;
	_ =	sdelay $0x1  }
0x211: {  	v4 =	vadd.s32 v2, v4;
	_ =	sdelay $0x1  }
0x212: {  	s21 =	simm.s32 $0x11680  }
0x213: {  	[tilespmem:s21], [sflag:$0x3] =	stream.indirect_vreg.gather [hbm4b:s2+s3], $0x80, v5, vm0, $0xb8;
	[tilespmem:$0x18680] =	vst v63  }
0x214: {  	s19 =	simm.s32 $0x11E80  }
0x215: {  	[tilespmem:s19], [sflag:$0x3] =	stream.indirect_vreg.gather [hbm4b:s2+s3], $0x80, v4, vm0, $0xb8;
	[tilespmem:$0x18680] =	vst v63  }
0x216: {  	v4 =	vld [tilespmem:$0x2A0];
	_ =	sdelay $0x4  }
0x217: {  	v5 =	vshll.u32 v4, $0x1  }
0x218: {  	v4 =	vand.u32 $0x7, v4;
	v5 =	vand.u32 $0xFFFFFFF0, v5  }
0x219: {  	v4 =	vor.u32 v4, v5  }
0x21a: {  	v5 =	vperm.xlane v4, v1;
	_ =	sdelay $0x1  }
0x21b: {  	v4 =	vperm.xlane v4, v3;
	v5 =	vadd.s32 v2, v5;
	_ =	sdelay $0x1  }
0x21c: {  	v4 =	vadd.s32 v2, v4;
	_ =	sdelay $0x1  }
0x21d: {  	s21 =	simm.s32 $0x12680  }
0x21e: {  	[tilespmem:s21], [sflag:$0x3] =	stream.indirect_vreg.gather [hbm4b:s2+s3], $0x80, v5, vm0, $0xb8;
	[tilespmem:$0x18680] =	vst v63  }
0x21f: {  	s19 =	simm.s32 $0x12E80  }
0x220: {  	[tilespmem:s19], [sflag:$0x3] =	stream.indirect_vreg.gather [hbm4b:s2+s3], $0x80, v4, vm0, $0xb8;
	[tilespmem:$0x18680] =	vst v63  }
0x221: {  	v4 =	vld [tilespmem:$0x2B0];
	_ =	sdelay $0x4  }
0x222: {  	v5 =	vshll.u32 v4, $0x1  }
0x223: {  	v4 =	vand.u32 $0x7, v4;
	v5 =	vand.u32 $0xFFFFFFF0, v5  }
0x224: {  	v4 =	vor.u32 v4, v5  }
0x225: {  	v5 =	vperm.xlane v4, v1;
	_ =	sdelay $0x1  }
0x226: {  	v4 =	vperm.xlane v4, v3;
	v5 =	vadd.s32 v2, v5;
	_ =	sdelay $0x1  }
0x227: {  	v4 =	vadd.s32 v2, v4;
	_ =	sdelay $0x1  }
0x228: {  	s21 =	simm.s32 $0x13680  }
0x229: {  	[tilespmem:s21], [sflag:$0x3] =	stream.indirect_vreg.gather [hbm4b:s2+s3], $0x80, v5, vm0, $0xb8;
	[tilespmem:$0x18680] =	vst v63  }
0x22a: {  	s19 =	simm.s32 $0x13E80  }
0x22b: {  	[tilespmem:s19], [sflag:$0x3] =	stream.indirect_vreg.gather [hbm4b:s2+s3], $0x80, v4, vm0, $0xb8;
	[tilespmem:$0x18680] =	vst v63  }
0x22c: {  	v4 =	vld [tilespmem:$0x2C0];
	_ =	sdelay $0x4  }
0x22d: {  	v5 =	vshll.u32 v4, $0x1  }
0x22e: {  	v4 =	vand.u32 $0x7, v4;
	v5 =	vand.u32 $0xFFFFFFF0, v5  }
0x22f: {  	v4 =	vor.u32 v4, v5  }
0x230: {  	v5 =	vperm.xlane v4, v1;
	_ =	sdelay $0x1  }
0x231: {  	v4 =	vperm.xlane v4, v3;
	v5 =	vadd.s32 v2, v5;
	_ =	sdelay $0x1  }
0x232: {  	v4 =	vadd.s32 v2, v4;
	_ =	sdelay $0x1  }
0x233: {  	s21 =	simm.s32 $0x14680  }
0x234: {  	[tilespmem:s21], [sflag:$0x3] =	stream.indirect_vreg.gather [hbm4b:s2+s3], $0x80, v5, vm0, $0xb8;
	[tilespmem:$0x18680] =	vst v63  }
0x235: {  	s19 =	simm.s32 $0x14E80  }
0x236: {  	[tilespmem:s19], [sflag:$0x3] =	stream.indirect_vreg.gather [hbm4b:s2+s3], $0x80, v4, vm0, $0xb8;
	[tilespmem:$0x18680] =	vst v63  }
0x237: {  	v4 =	vld [tilespmem:$0x2D0];
	_ =	sdelay $0x4  }
0x238: {  	v5 =	vshll.u32 v4, $0x1  }
0x239: {  	v4 =	vand.u32 $0x7, v4;
	v5 =	vand.u32 $0xFFFFFFF0, v5  }
0x23a: {  	v4 =	vor.u32 v4, v5  }
0x23b: {  	v5 =	vperm.xlane v4, v1;
	_ =	sdelay $0x1  }
0x23c: {  	v4 =	vperm.xlane v4, v3;
	v5 =	vadd.s32 v2, v5;
	_ =	sdelay $0x1  }
0x23d: {  	v4 =	vadd.s32 v2, v4;
	_ =	sdelay $0x1  }
0x23e: {  	s21 =	simm.s32 $0x15680  }
0x23f: {  	[tilespmem:s21], [sflag:$0x3] =	stream.indirect_vreg.gather [hbm4b:s2+s3], $0x80, v5, vm0, $0xb8;
	[tilespmem:$0x18680] =	vst v63  }
0x240: {  	s19 =	simm.s32 $0x15E80  }
0x241: {  	[tilespmem:s19], [sflag:$0x3] =	stream.indirect_vreg.gather [hbm4b:s2+s3], $0x80, v4, vm0, $0xb8;
	[tilespmem:$0x18680] =	vst v63  }
0x242: {  	v4 =	vld [tilespmem:$0x2E0];
	_ =	sdelay $0x4  }
0x243: {  	v5 =	vshll.u32 v4, $0x1  }
0x244: {  	v4 =	vand.u32 $0x7, v4;
	v5 =	vand.u32 $0xFFFFFFF0, v5  }
0x245: {  	v4 =	vor.u32 v4, v5  }
0x246: {  	v5 =	vperm.xlane v4, v1;
	_ =	sdelay $0x1  }
0x247: {  	v4 =	vperm.xlane v4, v3;
	v5 =	vadd.s32 v2, v5;
	_ =	sdelay $0x1  }
0x248: {  	v4 =	vadd.s32 v2, v4;
	_ =	sdelay $0x1  }
0x249: {  	s21 =	simm.s32 $0x16680  }
0x24a: {  	[tilespmem:s21], [sflag:$0x3] =	stream.indirect_vreg.gather [hbm4b:s2+s3], $0x80, v5, vm0, $0xb8;
	[tilespmem:$0x18680] =	vst v63  }
0x24b: {  	s19 =	simm.s32 $0x16E80  }
0x24c: {  	[tilespmem:s19], [sflag:$0x3] =	stream.indirect_vreg.gather [hbm4b:s2+s3], $0x80, v4, vm0, $0xb8;
	[tilespmem:$0x18680] =	vst v63  }
0x24d: {  	v4 =	vld [tilespmem:$0x2F0];
	_ =	sdelay $0x4  }
0x24e: {  	v5 =	vshll.u32 v4, $0x1  }
0x24f: {  	v4 =	vand.u32 $0x7, v4;
	v5 =	vand.u32 $0xFFFFFFF0, v5  }
0x250: {  	v4 =	vor.u32 v4, v5  }
0x251: {  	v5 =	vperm.xlane v4, v1;
	_ =	sdelay $0x1  }
0x252: {  	v4 =	vperm.xlane v4, v3;
	v5 =	vadd.s32 v2, v5;
	_ =	sdelay $0x1  }
0x253: {  	v4 =	vadd.s32 v2, v4;
	_ =	sdelay $0x1  }
0x254: {  	s21 =	simm.s32 $0x17680  }
0x255: {  	[tilespmem:s21], [sflag:$0x3] =	stream.indirect_vreg.gather [hbm4b:s2+s3], $0x80, v5, vm0, $0xb8;
	[tilespmem:$0x18680] =	vst v63  }
0x256: {  	s19 =	simm.s32 $0x17E80  }
0x257: {  	[tilespmem:s19], [sflag:$0x3] =	stream.indirect_vreg.gather [hbm4b:s2+s3], $0x80, v4, vm0, $0xb8;
	[tilespmem:$0x18680] =	vst v63  }
0x258: {  	_ =	swait.ge [sflag:s7], $0x8000  }
0x259: {  	[sflag:s7] =	ssyncset.done $0x0  }
0x25a: {  	s21 =	rddreg [dreg:$0xa];
	[sflag:s7] =	ssyncadd.s32 $0xFFFF8000  }
0x25b: {  	[hbm4b:s21+s3] =	stream.linear.scatter [tilespmem:s5], [sflag:$0x4], $0x8000, $0x38;
	[tilespmem:$0x18680] =	vst v63  }
0x25c: {  	_ =	swait.ge [sflag:s12], $0x8000  }
0x25d: {  	[sflag:s12] =	ssyncset.done $0x0  }
0x25e: {  	[sflag:s12] =	ssyncadd.s32 $0xFFFF8000  }
0x25f: {  	v4 =	vld [tilespmem:$0x300];
	_ =	sdelay $0x4  }
0x260: {  	v5 =	vshll.u32 v4, $0x1  }
0x261: {  	v4 =	vand.u32 $0x7, v4;
	v5 =	vand.u32 $0xFFFFFFF0, v5  }
0x262: {  	v4 =	vor.u32 v4, v5  }
0x263: {  	v5 =	vperm.xlane v4, v1;
	_ =	sdelay $0x1  }
0x264: {  	v4 =	vperm.xlane v4, v3;
	v5 =	vadd.s32 v2, v5;
	_ =	sdelay $0x1  }
0x265: {  	v4 =	vadd.s32 v2, v4;
	_ =	sdelay $0x2  }
0x266: {  	[tilespmem:s5], [sflag:$0x1] =	stream.indirect_vreg.gather [hbm4b:s2+s3], $0x80, v5, vm0, $0xb8;
	[tilespmem:$0x18680] =	vst v63  }
0x267: {  	s19 =	simm.s32 $0xE80  }
0x268: {  	[tilespmem:s19], [sflag:$0x1] =	stream.indirect_vreg.gather [hbm4b:s2+s3], $0x80, v4, vm0, $0xb8;
	[tilespmem:$0x18680] =	vst v63  }
0x269: {  	v4 =	vld [tilespmem:$0x310];
	_ =	sdelay $0x4  }
0x26a: {  	v5 =	vshll.u32 v4, $0x1  }
0x26b: {  	v4 =	vand.u32 $0x7, v4;
	v5 =	vand.u32 $0xFFFFFFF0, v5  }
0x26c: {  	v4 =	vor.u32 v4, v5  }
0x26d: {  	v5 =	vperm.xlane v4, v1;
	_ =	sdelay $0x1  }
0x26e: {  	v4 =	vperm.xlane v4, v3;
	v5 =	vadd.s32 v2, v5;
	_ =	sdelay $0x1  }
0x26f: {  	v4 =	vadd.s32 v2, v4;
	_ =	sdelay $0x1  }
0x270: {  	s21 =	simm.s32 $0x1680  }
0x271: {  	[tilespmem:s21], [sflag:$0x1] =	stream.indirect_vreg.gather [hbm4b:s2+s3], $0x80, v5, vm0, $0xb8;
	[tilespmem:$0x18680] =	vst v63  }
0x272: {  	s19 =	simm.s32 $0x1E80  }
0x273: {  	[tilespmem:s19], [sflag:$0x1] =	stream.indirect_vreg.gather [hbm4b:s2+s3], $0x80, v4, vm0, $0xb8;
	[tilespmem:$0x18680] =	vst v63  }
0x274: {  	v4 =	vld [tilespmem:$0x320];
	_ =	sdelay $0x4  }
0x275: {  	v5 =	vshll.u32 v4, $0x1  }
0x276: {  	v4 =	vand.u32 $0x7, v4;
	v5 =	vand.u32 $0xFFFFFFF0, v5  }
0x277: {  	v4 =	vor.u32 v4, v5  }
0x278: {  	v5 =	vperm.xlane v4, v1;
	_ =	sdelay $0x1  }
0x279: {  	v4 =	vperm.xlane v4, v3;
	v5 =	vadd.s32 v2, v5;
	_ =	sdelay $0x1  }
0x27a: {  	v4 =	vadd.s32 v2, v4;
	_ =	sdelay $0x1  }
0x27b: {  	s21 =	simm.s32 $0x2680  }
0x27c: {  	[tilespmem:s21], [sflag:$0x1] =	stream.indirect_vreg.gather [hbm4b:s2+s3], $0x80, v5, vm0, $0xb8;
	[tilespmem:$0x18680] =	vst v63  }
0x27d: {  	s19 =	simm.s32 $0x2E80  }
0x27e: {  	[tilespmem:s19], [sflag:$0x1] =	stream.indirect_vreg.gather [hbm4b:s2+s3], $0x80, v4, vm0, $0xb8;
	[tilespmem:$0x18680] =	vst v63  }
0x27f: {  	v4 =	vld [tilespmem:$0x330];
	_ =	sdelay $0x4  }
0x280: {  	v5 =	vshll.u32 v4, $0x1  }
0x281: {  	v4 =	vand.u32 $0x7, v4;
	v5 =	vand.u32 $0xFFFFFFF0, v5  }
0x282: {  	v4 =	vor.u32 v4, v5  }
0x283: {  	v5 =	vperm.xlane v4, v1;
	_ =	sdelay $0x1  }
0x284: {  	v4 =	vperm.xlane v4, v3;
	v5 =	vadd.s32 v2, v5;
	_ =	sdelay $0x1  }
0x285: {  	v4 =	vadd.s32 v2, v4;
	_ =	sdelay $0x1  }
0x286: {  	s21 =	simm.s32 $0x3680  }
0x287: {  	[tilespmem:s21], [sflag:$0x1] =	stream.indirect_vreg.gather [hbm4b:s2+s3], $0x80, v5, vm0, $0xb8;
	[tilespmem:$0x18680] =	vst v63  }
0x288: {  	_ = 	snop  }
0x289: {  	[tilespmem:s10], [sflag:$0x1] =	stream.indirect_vreg.gather [hbm4b:s2+s3], $0x80, v4, vm0, $0xb8;
	[tilespmem:$0x18680] =	vst v63  }
0x28a: {  	v4 =	vld [tilespmem:$0x340];
	_ =	sdelay $0x4  }
0x28b: {  	v5 =	vshll.u32 v4, $0x1  }
0x28c: {  	v4 =	vand.u32 $0x7, v4;
	v5 =	vand.u32 $0xFFFFFFF0, v5  }
0x28d: {  	v4 =	vor.u32 v4, v5  }
0x28e: {  	v5 =	vperm.xlane v4, v1;
	_ =	sdelay $0x1  }
0x28f: {  	v4 =	vperm.xlane v4, v3;
	v5 =	vadd.s32 v2, v5;
	_ =	sdelay $0x1  }
0x290: {  	v4 =	vadd.s32 v2, v4;
	_ =	sdelay $0x2  }
0x291: {  	[tilespmem:s6], [sflag:$0x1] =	stream.indirect_vreg.gather [hbm4b:s2+s3], $0x80, v5, vm0, $0xb8;
	[tilespmem:$0x18680] =	vst v63  }
0x292: {  	_ = 	snop  }
0x293: {  	[tilespmem:s28], [sflag:$0x1] =	stream.indirect_vreg.gather [hbm4b:s2+s3], $0x80, v4, vm0, $0xb8;
	[tilespmem:$0x18680] =	vst v63  }
0x294: {  	v4 =	vld [tilespmem:$0x350];
	_ =	sdelay $0x4  }
0x295: {  	v5 =	vshll.u32 v4, $0x1  }
0x296: {  	v4 =	vand.u32 $0x7, v4;
	v5 =	vand.u32 $0xFFFFFFF0, v5  }
0x297: {  	v4 =	vor.u32 v4, v5  }
0x298: {  	v5 =	vperm.xlane v4, v1;
	_ =	sdelay $0x1  }
0x299: {  	v4 =	vperm.xlane v4, v3;
	v5 =	vadd.s32 v2, v5;
	_ =	sdelay $0x1  }
0x29a: {  	v4 =	vadd.s32 v2, v4;
	_ =	sdelay $0x1  }
0x29b: {  	s10 =	simm.s32 $0x5680  }
0x29c: {  	[tilespmem:s10], [sflag:$0x1] =	stream.indirect_vreg.gather [hbm4b:s2+s3], $0x80, v5, vm0, $0xb8;
	[tilespmem:$0x18680] =	vst v63  }
0x29d: {  	_ = 	snop  }
0x29e: {  	[tilespmem:s8], [sflag:$0x1] =	stream.indirect_vreg.gather [hbm4b:s2+s3], $0x80, v4, vm0, $0xb8;
	[tilespmem:$0x18680] =	vst v63  }
0x29f: {  	v4 =	vld [tilespmem:$0x360];
	_ =	sdelay $0x4  }
0x2a0: {  	v5 =	vshll.u32 v4, $0x1  }
0x2a1: {  	v4 =	vand.u32 $0x7, v4;
	v5 =	vand.u32 $0xFFFFFFF0, v5  }
0x2a2: {  	v4 =	vor.u32 v4, v5  }
0x2a3: {  	v5 =	vperm.xlane v4, v1;
	_ =	sdelay $0x1  }
0x2a4: {  	v4 =	vperm.xlane v4, v3;
	v5 =	vadd.s32 v2, v5;
	_ =	sdelay $0x1  }
0x2a5: {  	v4 =	vadd.s32 v2, v4;
	_ =	sdelay $0x1  }
0x2a6: {  	s19 =	simm.s32 $0x6680  }
0x2a7: {  	[tilespmem:s19], [sflag:$0x1] =	stream.indirect_vreg.gather [hbm4b:s2+s3], $0x80, v5, vm0, $0xb8;
	[tilespmem:$0x18680] =	vst v63  }
0x2a8: {  	_ = 	snop  }
0x2a9: {  	[tilespmem:s9], [sflag:$0x1] =	stream.indirect_vreg.gather [hbm4b:s2+s3], $0x80, v4, vm0, $0xb8;
	[tilespmem:$0x18680] =	vst v63  }
0x2aa: {  	v4 =	vld [tilespmem:$0x370];
	_ =	sdelay $0x4  }
0x2ab: {  	v5 =	vshll.u32 v4, $0x1  }
0x2ac: {  	v4 =	vand.u32 $0x7, v4;
	v5 =	vand.u32 $0xFFFFFFF0, v5  }
0x2ad: {  	v4 =	vor.u32 v4, v5  }
0x2ae: {  	v5 =	vperm.xlane v4, v1;
	_ =	sdelay $0x1  }
0x2af: {  	v4 =	vperm.xlane v4, v3;
	v5 =	vadd.s32 v2, v5;
	_ =	sdelay $0x1  }
0x2b0: {  	v4 =	vadd.s32 v2, v4;
	_ =	sdelay $0x1  }
0x2b1: {  	s10 =	simm.s32 $0x7680  }
0x2b2: {  	[tilespmem:s10], [sflag:$0x1] =	stream.indirect_vreg.gather [hbm4b:s2+s3], $0x80, v5, vm0, $0xb8;
	[tilespmem:$0x18680] =	vst v63  }
0x2b3: {  	_ = 	snop  }
0x2b4: {  	[tilespmem:s13], [sflag:$0x1] =	stream.indirect_vreg.gather [hbm4b:s2+s3], $0x80, v4, vm0, $0xb8;
	[tilespmem:$0x18680] =	vst v63  }
0x2b5: {  	_ =	swait.ge [sflag:s11], $0x8000  }
0x2b6: {  	[sflag:s11] =	ssyncset.done $0x0  }
0x2b7: {  	s19 =	rddreg [dreg:$0xb];
	[sflag:s11] =	ssyncadd.s32 $0xFFFF8000  }
0x2b8: {  	[hbm4b:s19+s3] =	stream.linear.scatter [tilespmem:s16], [sflag:$0x5], $0x8000, $0x38;
	[tilespmem:$0x18680] =	vst v63  }
0x2b9: {  	_ =	swait.ge [sflag:s14], $0x8000  }
0x2ba: {  	[sflag:s14] =	ssyncset.done $0x0  }
0x2bb: {  	[sflag:s14] =	ssyncadd.s32 $0xFFFF8000  }
0x2bc: {  	v4 =	vld [tilespmem:$0x380];
	_ =	sdelay $0x4  }
0x2bd: {  	v5 =	vshll.u32 v4, $0x1  }
0x2be: {  	v4 =	vand.u32 $0x7, v4;
	v5 =	vand.u32 $0xFFFFFFF0, v5  }
0x2bf: {  	v4 =	vor.u32 v4, v5  }
0x2c0: {  	v5 =	vperm.xlane v4, v1;
	_ =	sdelay $0x1  }
0x2c1: {  	v4 =	vperm.xlane v4, v3;
	v5 =	vadd.s32 v2, v5;
	_ =	sdelay $0x1  }
0x2c2: {  	v4 =	vadd.s32 v2, v4;
	_ =	sdelay $0x2  }
0x2c3: {  	[tilespmem:s16], [sflag:$0x2] =	stream.indirect_vreg.gather [hbm4b:s2+s3], $0x80, v5, vm0, $0xb8;
	[tilespmem:$0x18680] =	vst v63  }
0x2c4: {  	s10 =	simm.s32 $0x8E80  }
0x2c5: {  	[tilespmem:s10], [sflag:$0x2] =	stream.indirect_vreg.gather [hbm4b:s2+s3], $0x80, v4, vm0, $0xb8;
	[tilespmem:$0x18680] =	vst v63  }
0x2c6: {  	v4 =	vld [tilespmem:$0x390];
	_ =	sdelay $0x4  }
0x2c7: {  	v5 =	vshll.u32 v4, $0x1  }
0x2c8: {  	v4 =	vand.u32 $0x7, v4;
	v5 =	vand.u32 $0xFFFFFFF0, v5  }
0x2c9: {  	v4 =	vor.u32 v4, v5  }
0x2ca: {  	v5 =	vperm.xlane v4, v1;
	_ =	sdelay $0x1  }
0x2cb: {  	v4 =	vperm.xlane v4, v3;
	v5 =	vadd.s32 v2, v5;
	_ =	sdelay $0x1  }
0x2cc: {  	v4 =	vadd.s32 v2, v4;
	_ =	sdelay $0x2  }
0x2cd: {  	[tilespmem:s23], [sflag:$0x2] =	stream.indirect_vreg.gather [hbm4b:s2+s3], $0x80, v5, vm0, $0xb8;
	[tilespmem:$0x18680] =	vst v63  }
0x2ce: {  	s19 =	simm.s32 $0x9E80  }
0x2cf: {  	[tilespmem:s19], [sflag:$0x2] =	stream.indirect_vreg.gather [hbm4b:s2+s3], $0x80, v4, vm0, $0xb8;
	[tilespmem:$0x18680] =	vst v63  }
0x2d0: {  	v4 =	vld [tilespmem:$0x3A0];
	_ =	sdelay $0x4  }
0x2d1: {  	v5 =	vshll.u32 v4, $0x1  }
0x2d2: {  	v4 =	vand.u32 $0x7, v4;
	v5 =	vand.u32 $0xFFFFFFF0, v5  }
0x2d3: {  	v4 =	vor.u32 v4, v5  }
0x2d4: {  	v5 =	vperm.xlane v4, v1;
	_ =	sdelay $0x1  }
0x2d5: {  	v4 =	vperm.xlane v4, v3;
	v5 =	vadd.s32 v2, v5;
	_ =	sdelay $0x1  }
0x2d6: {  	v4 =	vadd.s32 v2, v4;
	_ =	sdelay $0x2  }
0x2d7: {  	[tilespmem:s29], [sflag:$0x2] =	stream.indirect_vreg.gather [hbm4b:s2+s3], $0x80, v5, vm0, $0xb8;
	[tilespmem:$0x18680] =	vst v63  }
0x2d8: {  	s10 =	simm.s32 $0xAE80  }
0x2d9: {  	[tilespmem:s10], [sflag:$0x2] =	stream.indirect_vreg.gather [hbm4b:s2+s3], $0x80, v4, vm0, $0xb8;
	[tilespmem:$0x18680] =	vst v63  }
0x2da: {  	v4 =	vld [tilespmem:$0x3B0];
	_ =	sdelay $0x4  }
0x2db: {  	v5 =	vshll.u32 v4, $0x1  }
0x2dc: {  	v4 =	vand.u32 $0x7, v4;
	v5 =	vand.u32 $0xFFFFFFF0, v5  }
0x2dd: {  	v4 =	vor.u32 v4, v5  }
0x2de: {  	v5 =	vperm.xlane v4, v1;
	_ =	sdelay $0x1  }
0x2df: {  	v4 =	vperm.xlane v4, v3;
	v5 =	vadd.s32 v2, v5;
	_ =	sdelay $0x1  }
0x2e0: {  	v4 =	vadd.s32 v2, v4;
	_ =	sdelay $0x2  }
0x2e1: {  	[tilespmem:s30], [sflag:$0x2] =	stream.indirect_vreg.gather [hbm4b:s2+s3], $0x80, v5, vm0, $0xb8;
	[tilespmem:$0x18680] =	vst v63  }
0x2e2: {  	s29 =	simm.s32 $0xBE80  }
0x2e3: {  	[tilespmem:s29], [sflag:$0x2] =	stream.indirect_vreg.gather [hbm4b:s2+s3], $0x80, v4, vm0, $0xb8;
	[tilespmem:$0x18680] =	vst v63  }
0x2e4: {  	v4 =	vld [tilespmem:$0x3C0];
	_ =	sdelay $0x4  }
0x2e5: {  	v5 =	vshll.u32 v4, $0x1  }
0x2e6: {  	v4 =	vand.u32 $0x7, v4;
	v5 =	vand.u32 $0xFFFFFFF0, v5  }
0x2e7: {  	v4 =	vor.u32 v4, v5  }
0x2e8: {  	v5 =	vperm.xlane v4, v1;
	_ =	sdelay $0x1  }
0x2e9: {  	v4 =	vperm.xlane v4, v3;
	v5 =	vadd.s32 v2, v5;
	_ =	sdelay $0x1  }
0x2ea: {  	v4 =	vadd.s32 v2, v4;
	_ =	sdelay $0x2  }
0x2eb: {  	[tilespmem:s31], [sflag:$0x2] =	stream.indirect_vreg.gather [hbm4b:s2+s3], $0x80, v5, vm0, $0xb8;
	[tilespmem:$0x18680] =	vst v63  }
0x2ec: {  	_ = 	snop  }
0x2ed: {  	[tilespmem:s25], [sflag:$0x2] =	stream.indirect_vreg.gather [hbm4b:s2+s3], $0x80, v4, vm0, $0xb8;
	[tilespmem:$0x18680] =	vst v63  }
0x2ee: {  	v4 =	vld [tilespmem:$0x3D0];
	_ =	sdelay $0x4  }
0x2ef: {  	v5 =	vshll.u32 v4, $0x1  }
0x2f0: {  	v4 =	vand.u32 $0x7, v4;
	v5 =	vand.u32 $0xFFFFFFF0, v5  }
0x2f1: {  	v4 =	vor.u32 v4, v5  }
0x2f2: {  	v5 =	vperm.xlane v4, v1;
	_ =	sdelay $0x1  }
0x2f3: {  	v4 =	vperm.xlane v4, v3;
	v5 =	vadd.s32 v2, v5;
	_ =	sdelay $0x1  }
0x2f4: {  	v4 =	vadd.s32 v2, v4;
	_ =	sdelay $0x2  }
0x2f5: {  	[tilespmem:s20], [sflag:$0x2] =	stream.indirect_vreg.gather [hbm4b:s2+s3], $0x80, v5, vm0, $0xb8;
	[tilespmem:$0x18680] =	vst v63  }
0x2f6: {  	_ = 	snop  }
0x2f7: {  	[tilespmem:s26], [sflag:$0x2] =	stream.indirect_vreg.gather [hbm4b:s2+s3], $0x80, v4, vm0, $0xb8;
	[tilespmem:$0x18680] =	vst v63  }
0x2f8: {  	v4 =	vld [tilespmem:$0x3E0];
	_ =	sdelay $0x4  }
0x2f9: {  	v5 =	vshll.u32 v4, $0x1  }
0x2fa: {  	v4 =	vand.u32 $0x7, v4;
	v5 =	vand.u32 $0xFFFFFFF0, v5  }
0x2fb: {  	v4 =	vor.u32 v4, v5  }
0x2fc: {  	v5 =	vperm.xlane v4, v1;
	_ =	sdelay $0x1  }
0x2fd: {  	v4 =	vperm.xlane v4, v3;
	v5 =	vadd.s32 v2, v5;
	_ =	sdelay $0x1  }
0x2fe: {  	v4 =	vadd.s32 v2, v4;
	_ =	sdelay $0x2  }
0x2ff: {  	[tilespmem:s22], [sflag:$0x2] =	stream.indirect_vreg.gather [hbm4b:s2+s3], $0x80, v5, vm0, $0xb8;
	[tilespmem:$0x18680] =	vst v63  }
0x300: {  	_ = 	snop  }
0x301: {  	[tilespmem:s1], [sflag:$0x2] =	stream.indirect_vreg.gather [hbm4b:s2+s3], $0x80, v4, vm0, $0xb8;
	[tilespmem:$0x18680] =	vst v63  }
0x302: {  	v4 =	vld [tilespmem:$0x3F0];
	_ =	sdelay $0x4  }
0x303: {  	v5 =	vshll.u32 v4, $0x1  }
0x304: {  	v4 =	vand.u32 $0x7, v4;
	v5 =	vand.u32 $0xFFFFFFF0, v5  }
0x305: {  	v4 =	vor.u32 v4, v5  }
0x306: {  	v5 =	vperm.xlane v4, v1;
	_ =	sdelay $0x1  }
0x307: {  	v4 =	vperm.xlane v4, v3;
	v5 =	vadd.s32 v2, v5;
	_ =	sdelay $0x1  }
0x308: {  	v4 =	vadd.s32 v2, v4;
	_ =	sdelay $0x2  }
0x309: {  	[tilespmem:s24], [sflag:$0x2] =	stream.indirect_vreg.gather [hbm4b:s2+s3], $0x80, v5, vm0, $0xb8;
	[tilespmem:$0x18680] =	vst v63  }
0x30a: {  	s30 =	simm.s32 $0xFE80  }
0x30b: {  	[tilespmem:s30], [sflag:$0x2] =	stream.indirect_vreg.gather [hbm4b:s2+s3], $0x80, v4, vm0, $0xb8;
	[tilespmem:$0x18680] =	vst v63  }
0x30c: {  	_ =	swait.ge [sflag:s15], $0x8000  }
0x30d: {  	[sflag:s15] =	ssyncset.done $0x0  }
0x30e: {  	s29 =	rddreg [dreg:$0xc];
	[sflag:s15] =	ssyncadd.s32 $0xFFFF8000  }
0x30f: {  	[hbm4b:s29+s3] =	stream.linear.scatter [tilespmem:s0], [sflag:$0x6], $0x8000, $0x38;
	[tilespmem:$0x18680] =	vst v63  }
0x310: {  	_ =	swait.ge [sflag:s17], $0x8000  }
0x311: {  	[sflag:s17] =	ssyncset.done $0x0  }
0x312: {  	[sflag:s17] =	ssyncadd.s32 $0xFFFF8000  }
0x313: {  	v4 =	vld [tilespmem:$0x400];
	_ =	sdelay $0x4  }
0x314: {  	v5 =	vshll.u32 v4, $0x1  }
0x315: {  	v4 =	vand.u32 $0x7, v4;
	v5 =	vand.u32 $0xFFFFFFF0, v5  }
0x316: {  	v4 =	vor.u32 v4, v5  }
0x317: {  	v5 =	vperm.xlane v4, v1;
	_ =	sdelay $0x1  }
0x318: {  	v4 =	vperm.xlane v4, v3;
	v5 =	vadd.s32 v2, v5;
	_ =	sdelay $0x1  }
0x319: {  	v4 =	vadd.s32 v2, v4;
	_ =	sdelay $0x2  }
0x31a: {  	[tilespmem:s0], [sflag:$0x3] =	stream.indirect_vreg.gather [hbm4b:s2+s3], $0x80, v5, vm0, $0xb8;
	[tilespmem:$0x18680] =	vst v63  }
0x31b: {  	s30 =	simm.s32 $0x10E80  }
0x31c: {  	[tilespmem:s30], [sflag:$0x3] =	stream.indirect_vreg.gather [hbm4b:s2+s3], $0x80, v4, vm0, $0xb8;
	[tilespmem:$0x18680] =	vst v63  }
0x31d: {  	v4 =	vld [tilespmem:$0x410];
	_ =	sdelay $0x4  }
0x31e: {  	v5 =	vshll.u32 v4, $0x1  }
0x31f: {  	v4 =	vand.u32 $0x7, v4;
	v5 =	vand.u32 $0xFFFFFFF0, v5  }
0x320: {  	v4 =	vor.u32 v4, v5  }
0x321: {  	v5 =	vperm.xlane v4, v1;
	_ =	sdelay $0x1  }
0x322: {  	v4 =	vperm.xlane v4, v3;
	v5 =	vadd.s32 v2, v5;
	_ =	sdelay $0x1  }
0x323: {  	v4 =	vadd.s32 v2, v4;
	_ =	sdelay $0x1  }
0x324: {  	s29 =	simm.s32 $0x11680  }
0x325: {  	[tilespmem:s29], [sflag:$0x3] =	stream.indirect_vreg.gather [hbm4b:s2+s3], $0x80, v5, vm0, $0xb8;
	[tilespmem:$0x18680] =	vst v63  }
0x326: {  	s30 =	simm.s32 $0x11E80  }
0x327: {  	[tilespmem:s30], [sflag:$0x3] =	stream.indirect_vreg.gather [hbm4b:s2+s3], $0x80, v4, vm0, $0xb8;
	[tilespmem:$0x18680] =	vst v63  }
0x328: {  	v4 =	vld [tilespmem:$0x420];
	_ =	sdelay $0x4  }
0x329: {  	v5 =	vshll.u32 v4, $0x1  }
0x32a: {  	v4 =	vand.u32 $0x7, v4;
	v5 =	vand.u32 $0xFFFFFFF0, v5  }
0x32b: {  	v4 =	vor.u32 v4, v5  }
0x32c: {  	v5 =	vperm.xlane v4, v1;
	_ =	sdelay $0x1  }
0x32d: {  	v4 =	vperm.xlane v4, v3;
	v5 =	vadd.s32 v2, v5;
	_ =	sdelay $0x1  }
0x32e: {  	v4 =	vadd.s32 v2, v4;
	_ =	sdelay $0x1  }
0x32f: {  	s30 =	simm.s32 $0x12680  }
0x330: {  	[tilespmem:s30], [sflag:$0x3] =	stream.indirect_vreg.gather [hbm4b:s2+s3], $0x80, v5, vm0, $0xb8;
	[tilespmem:$0x18680] =	vst v63  }
0x331: {  	s4 =	simm.s32 $0x12E80  }
0x332: {  	[tilespmem:s4], [sflag:$0x3] =	stream.indirect_vreg.gather [hbm4b:s2+s3], $0x80, v4, vm0, $0xb8;
	[tilespmem:$0x18680] =	vst v63  }
0x333: {  	v4 =	vld [tilespmem:$0x430];
	_ =	sdelay $0x4  }
0x334: {  	v5 =	vshll.u32 v4, $0x1  }
0x335: {  	v4 =	vand.u32 $0x7, v4;
	v5 =	vand.u32 $0xFFFFFFF0, v5  }
0x336: {  	v4 =	vor.u32 v4, v5  }
0x337: {  	v5 =	vperm.xlane v4, v1;
	_ =	sdelay $0x1  }
0x338: {  	v4 =	vperm.xlane v4, v3;
	v5 =	vadd.s32 v2, v5;
	_ =	sdelay $0x1  }
0x339: {  	v4 =	vadd.s32 v2, v4;
	_ =	sdelay $0x1  }
0x33a: {  	s4 =	simm.s32 $0x13680  }
0x33b: {  	[tilespmem:s4], [sflag:$0x3] =	stream.indirect_vreg.gather [hbm4b:s2+s3], $0x80, v5, vm0, $0xb8;
	[tilespmem:$0x18680] =	vst v63  }
0x33c: {  	s4 =	simm.s32 $0x13E80  }
0x33d: {  	[tilespmem:s4], [sflag:$0x3] =	stream.indirect_vreg.gather [hbm4b:s2+s3], $0x80, v4, vm0, $0xb8;
	[tilespmem:$0x18680] =	vst v63  }
0x33e: {  	v4 =	vld [tilespmem:$0x440];
	_ =	sdelay $0x4  }
0x33f: {  	v5 =	vshll.u32 v4, $0x1  }
0x340: {  	v4 =	vand.u32 $0x7, v4;
	v5 =	vand.u32 $0xFFFFFFF0, v5  }
0x341: {  	v4 =	vor.u32 v4, v5  }
0x342: {  	v5 =	vperm.xlane v4, v1;
	_ =	sdelay $0x1  }
0x343: {  	v4 =	vperm.xlane v4, v3;
	v5 =	vadd.s32 v2, v5;
	_ =	sdelay $0x1  }
0x344: {  	v4 =	vadd.s32 v2, v4;
	_ =	sdelay $0x1  }
0x345: {  	s4 =	simm.s32 $0x14680  }
0x346: {  	[tilespmem:s4], [sflag:$0x3] =	stream.indirect_vreg.gather [hbm4b:s2+s3], $0x80, v5, vm0, $0xb8;
	[tilespmem:$0x18680] =	vst v63  }
0x347: {  	s4 =	simm.s32 $0x14E80  }
0x348: {  	[tilespmem:s4], [sflag:$0x3] =	stream.indirect_vreg.gather [hbm4b:s2+s3], $0x80, v4, vm0, $0xb8;
	[tilespmem:$0x18680] =	vst v63  }
0x349: {  	v4 =	vld [tilespmem:$0x450];
	_ =	sdelay $0x4  }
0x34a: {  	v5 =	vshll.u32 v4, $0x1  }
0x34b: {  	v4 =	vand.u32 $0x7, v4;
	v5 =	vand.u32 $0xFFFFFFF0, v5  }
0x34c: {  	v4 =	vor.u32 v4, v5  }
0x34d: {  	v5 =	vperm.xlane v4, v1;
	_ =	sdelay $0x1  }
0x34e: {  	v4 =	vperm.xlane v4, v3;
	v5 =	vadd.s32 v2, v5;
	_ =	sdelay $0x1  }
0x34f: {  	v4 =	vadd.s32 v2, v4;
	_ =	sdelay $0x1  }
0x350: {  	s4 =	simm.s32 $0x15680  }
0x351: {  	[tilespmem:s4], [sflag:$0x3] =	stream.indirect_vreg.gather [hbm4b:s2+s3], $0x80, v5, vm0, $0xb8;
	[tilespmem:$0x18680] =	vst v63  }
0x352: {  	s4 =	simm.s32 $0x15E80  }
0x353: {  	[tilespmem:s4], [sflag:$0x3] =	stream.indirect_vreg.gather [hbm4b:s2+s3], $0x80, v4, vm0, $0xb8;
	[tilespmem:$0x18680] =	vst v63  }
0x354: {  	v4 =	vld [tilespmem:$0x460];
	_ =	sdelay $0x4  }
0x355: {  	v5 =	vshll.u32 v4, $0x1  }
0x356: {  	v4 =	vand.u32 $0x7, v4;
	v5 =	vand.u32 $0xFFFFFFF0, v5  }
0x357: {  	v4 =	vor.u32 v4, v5  }
0x358: {  	v5 =	vperm.xlane v4, v1;
	_ =	sdelay $0x1  }
0x359: {  	v4 =	vperm.xlane v4, v3;
	v5 =	vadd.s32 v2, v5;
	_ =	sdelay $0x1  }
0x35a: {  	v4 =	vadd.s32 v2, v4;
	_ =	sdelay $0x1  }
0x35b: {  	s4 =	simm.s32 $0x16680  }
0x35c: {  	[tilespmem:s4], [sflag:$0x3] =	stream.indirect_vreg.gather [hbm4b:s2+s3], $0x80, v5, vm0, $0xb8;
	[tilespmem:$0x18680] =	vst v63  }
0x35d: {  	s4 =	simm.s32 $0x16E80  }
0x35e: {  	[tilespmem:s4], [sflag:$0x3] =	stream.indirect_vreg.gather [hbm4b:s2+s3], $0x80, v4, vm0, $0xb8;
	[tilespmem:$0x18680] =	vst v63  }
0x35f: {  	v4 =	vld [tilespmem:$0x470];
	_ =	sdelay $0x4  }
0x360: {  	v5 =	vshll.u32 v4, $0x1  }
0x361: {  	v4 =	vand.u32 $0x7, v4;
	v5 =	vand.u32 $0xFFFFFFF0, v5  }
0x362: {  	v4 =	vor.u32 v4, v5  }
0x363: {  	v5 =	vperm.xlane v4, v1;
	_ =	sdelay $0x1  }
0x364: {  	v4 =	vperm.xlane v4, v3;
	v5 =	vadd.s32 v2, v5;
	_ =	sdelay $0x1  }
0x365: {  	v4 =	vadd.s32 v2, v4;
	_ =	sdelay $0x1  }
0x366: {  	s4 =	simm.s32 $0x17680  }
0x367: {  	[tilespmem:s4], [sflag:$0x3] =	stream.indirect_vreg.gather [hbm4b:s2+s3], $0x80, v5, vm0, $0xb8;
	[tilespmem:$0x18680] =	vst v63  }
0x368: {  	s4 =	simm.s32 $0x17E80  }
0x369: {  	[tilespmem:s4], [sflag:$0x3] =	stream.indirect_vreg.gather [hbm4b:s2+s3], $0x80, v4, vm0, $0xb8;
	[tilespmem:$0x18680] =	vst v63  }
0x36a: {  	_ =	swait.ge [sflag:s7], $0x8000  }
0x36b: {  	[sflag:s7] =	ssyncset.done $0x0  }
0x36c: {  	s4 =	rddreg [dreg:$0xd];
	[sflag:s7] =	ssyncadd.s32 $0xFFFF8000  }
0x36d: {  	[hbm4b:s4+s3] =	stream.linear.scatter [tilespmem:s5], [sflag:$0x4], $0x8000, $0x38;
	[tilespmem:$0x18680] =	vst v63  }
0x36e: {  	_ =	swait.ge [sflag:s12], $0x8000  }
0x36f: {  	[sflag:s12] =	ssyncset.done $0x0  }
0x370: {  	[sflag:s12] =	ssyncadd.s32 $0xFFFF8000  }
0x371: {  	v4 =	vld [tilespmem:$0x480];
	_ =	sdelay $0x4  }
0x372: {  	v5 =	vshll.u32 v4, $0x1  }
0x373: {  	v4 =	vand.u32 $0x7, v4;
	v5 =	vand.u32 $0xFFFFFFF0, v5  }
0x374: {  	v4 =	vor.u32 v4, v5  }
0x375: {  	v5 =	vperm.xlane v4, v1;
	_ =	sdelay $0x1  }
0x376: {  	v4 =	vperm.xlane v4, v3;
	v5 =	vadd.s32 v2, v5;
	_ =	sdelay $0x1  }
0x377: {  	v4 =	vadd.s32 v2, v4;
	_ =	sdelay $0x2  }
0x378: {  	[tilespmem:s5], [sflag:$0x1] =	stream.indirect_vreg.gather [hbm4b:s2+s3], $0x80, v5, vm0, $0xb8;
	[tilespmem:$0x18680] =	vst v63  }
0x379: {  	s5 =	simm.s32 $0xE80  }
0x37a: {  	[tilespmem:s5], [sflag:$0x1] =	stream.indirect_vreg.gather [hbm4b:s2+s3], $0x80, v4, vm0, $0xb8;
	[tilespmem:$0x18680] =	vst v63  }
0x37b: {  	v4 =	vld [tilespmem:$0x490];
	_ =	sdelay $0x4  }
0x37c: {  	v5 =	vshll.u32 v4, $0x1  }
0x37d: {  	v4 =	vand.u32 $0x7, v4;
	v5 =	vand.u32 $0xFFFFFFF0, v5  }
0x37e: {  	v4 =	vor.u32 v4, v5  }
0x37f: {  	v5 =	vperm.xlane v4, v1;
	_ =	sdelay $0x1  }
0x380: {  	v4 =	vperm.xlane v4, v3;
	v5 =	vadd.s32 v2, v5;
	_ =	sdelay $0x1  }
0x381: {  	v4 =	vadd.s32 v2, v4;
	_ =	sdelay $0x1  }
0x382: {  	s5 =	simm.s32 $0x1680  }
0x383: {  	[tilespmem:s5], [sflag:$0x1] =	stream.indirect_vreg.gather [hbm4b:s2+s3], $0x80, v5, vm0, $0xb8;
	[tilespmem:$0x18680] =	vst v63  }
0x384: {  	s5 =	simm.s32 $0x1E80  }
0x385: {  	[tilespmem:s5], [sflag:$0x1] =	stream.indirect_vreg.gather [hbm4b:s2+s3], $0x80, v4, vm0, $0xb8;
	[tilespmem:$0x18680] =	vst v63  }
0x386: {  	v4 =	vld [tilespmem:$0x4A0];
	_ =	sdelay $0x4  }
0x387: {  	v5 =	vshll.u32 v4, $0x1  }
0x388: {  	v4 =	vand.u32 $0x7, v4;
	v5 =	vand.u32 $0xFFFFFFF0, v5  }
0x389: {  	v4 =	vor.u32 v4, v5  }
0x38a: {  	v5 =	vperm.xlane v4, v1;
	_ =	sdelay $0x1  }
0x38b: {  	v4 =	vperm.xlane v4, v3;
	v5 =	vadd.s32 v2, v5;
	_ =	sdelay $0x1  }
0x38c: {  	v4 =	vadd.s32 v2, v4;
	_ =	sdelay $0x1  }
0x38d: {  	s5 =	simm.s32 $0x2680  }
0x38e: {  	[tilespmem:s5], [sflag:$0x1] =	stream.indirect_vreg.gather [hbm4b:s2+s3], $0x80, v5, vm0, $0xb8;
	[tilespmem:$0x18680] =	vst v63  }
0x38f: {  	s5 =	simm.s32 $0x2E80  }
0x390: {  	[tilespmem:s5], [sflag:$0x1] =	stream.indirect_vreg.gather [hbm4b:s2+s3], $0x80, v4, vm0, $0xb8;
	[tilespmem:$0x18680] =	vst v63  }
0x391: {  	v4 =	vld [tilespmem:$0x4B0];
	_ =	sdelay $0x4  }
0x392: {  	v5 =	vshll.u32 v4, $0x1  }
0x393: {  	v4 =	vand.u32 $0x7, v4;
	v5 =	vand.u32 $0xFFFFFFF0, v5  }
0x394: {  	v4 =	vor.u32 v4, v5  }
0x395: {  	v5 =	vperm.xlane v4, v1;
	_ =	sdelay $0x1  }
0x396: {  	v4 =	vperm.xlane v4, v3;
	v5 =	vadd.s32 v2, v5;
	_ =	sdelay $0x1  }
0x397: {  	v4 =	vadd.s32 v2, v4;
	_ =	sdelay $0x1  }
0x398: {  	s5 =	simm.s32 $0x3680  }
0x399: {  	[tilespmem:s5], [sflag:$0x1] =	stream.indirect_vreg.gather [hbm4b:s2+s3], $0x80, v5, vm0, $0xb8;
	[tilespmem:$0x18680] =	vst v63  }
0x39a: {  	s21 =	simm.s32 $0x3E80  }
0x39b: {  	[tilespmem:s21], [sflag:$0x1] =	stream.indirect_vreg.gather [hbm4b:s2+s3], $0x80, v4, vm0, $0xb8;
	[tilespmem:$0x18680] =	vst v63  }
0x39c: {  	v4 =	vld [tilespmem:$0x4C0];
	_ =	sdelay $0x4  }
0x39d: {  	v5 =	vshll.u32 v4, $0x1  }
0x39e: {  	v4 =	vand.u32 $0x7, v4;
	v5 =	vand.u32 $0xFFFFFFF0, v5  }
0x39f: {  	v4 =	vor.u32 v4, v5  }
0x3a0: {  	v5 =	vperm.xlane v4, v1;
	_ =	sdelay $0x1  }
0x3a1: {  	v4 =	vperm.xlane v4, v3;
	v5 =	vadd.s32 v2, v5;
	_ =	sdelay $0x1  }
0x3a2: {  	v4 =	vadd.s32 v2, v4;
	_ =	sdelay $0x1  }
0x3a3: {  	s6 =	simm.s32 $0x4680  }
0x3a4: {  	[tilespmem:s6], [sflag:$0x1] =	stream.indirect_vreg.gather [hbm4b:s2+s3], $0x80, v5, vm0, $0xb8;
	[tilespmem:$0x18680] =	vst v63  }
0x3a5: {  	s28 =	simm.s32 $0x4E80  }
0x3a6: {  	[tilespmem:s28], [sflag:$0x1] =	stream.indirect_vreg.gather [hbm4b:s2+s3], $0x80, v4, vm0, $0xb8;
	[tilespmem:$0x18680] =	vst v63  }
0x3a7: {  	v4 =	vld [tilespmem:$0x4D0];
	_ =	sdelay $0x4  }
0x3a8: {  	v5 =	vshll.u32 v4, $0x1  }
0x3a9: {  	v4 =	vand.u32 $0x7, v4;
	v5 =	vand.u32 $0xFFFFFFF0, v5  }
0x3aa: {  	v4 =	vor.u32 v4, v5  }
0x3ab: {  	v5 =	vperm.xlane v4, v1;
	_ =	sdelay $0x1  }
0x3ac: {  	v4 =	vperm.xlane v4, v3;
	v5 =	vadd.s32 v2, v5;
	_ =	sdelay $0x1  }
0x3ad: {  	v4 =	vadd.s32 v2, v4;
	_ =	sdelay $0x1  }
0x3ae: {  	s5 =	simm.s32 $0x5680  }
0x3af: {  	[tilespmem:s5], [sflag:$0x1] =	stream.indirect_vreg.gather [hbm4b:s2+s3], $0x80, v5, vm0, $0xb8;
	[tilespmem:$0x18680] =	vst v63  }
0x3b0: {  	s8 =	simm.s32 $0x5E80  }
0x3b1: {  	[tilespmem:s8], [sflag:$0x1] =	stream.indirect_vreg.gather [hbm4b:s2+s3], $0x80, v4, vm0, $0xb8;
	[tilespmem:$0x18680] =	vst v63  }
0x3b2: {  	v4 =	vld [tilespmem:$0x4E0];
	_ =	sdelay $0x4  }
0x3b3: {  	v5 =	vshll.u32 v4, $0x1  }
0x3b4: {  	v4 =	vand.u32 $0x7, v4;
	v5 =	vand.u32 $0xFFFFFFF0, v5  }
0x3b5: {  	v4 =	vor.u32 v4, v5  }
0x3b6: {  	v5 =	vperm.xlane v4, v1;
	_ =	sdelay $0x1  }
0x3b7: {  	v4 =	vperm.xlane v4, v3;
	v5 =	vadd.s32 v2, v5;
	_ =	sdelay $0x1  }
0x3b8: {  	v4 =	vadd.s32 v2, v4;
	_ =	sdelay $0x1  }
0x3b9: {  	s8 =	simm.s32 $0x6680  }
0x3ba: {  	[tilespmem:s8], [sflag:$0x1] =	stream.indirect_vreg.gather [hbm4b:s2+s3], $0x80, v5, vm0, $0xb8;
	[tilespmem:$0x18680] =	vst v63  }
0x3bb: {  	s9 =	simm.s32 $0x6E80  }
0x3bc: {  	[tilespmem:s9], [sflag:$0x1] =	stream.indirect_vreg.gather [hbm4b:s2+s3], $0x80, v4, vm0, $0xb8;
	[tilespmem:$0x18680] =	vst v63  }
0x3bd: {  	v4 =	vld [tilespmem:$0x4F0];
	_ =	sdelay $0x4  }
0x3be: {  	v5 =	vshll.u32 v4, $0x1  }
0x3bf: {  	v4 =	vand.u32 $0x7, v4;
	v5 =	vand.u32 $0xFFFFFFF0, v5  }
0x3c0: {  	v4 =	vor.u32 v4, v5  }
0x3c1: {  	v5 =	vperm.xlane v4, v1;
	_ =	sdelay $0x1  }
0x3c2: {  	v4 =	vperm.xlane v4, v3;
	v5 =	vadd.s32 v2, v5;
	_ =	sdelay $0x1  }
0x3c3: {  	v4 =	vadd.s32 v2, v4;
	_ =	sdelay $0x1  }
0x3c4: {  	s9 =	simm.s32 $0x7680  }
0x3c5: {  	[tilespmem:s9], [sflag:$0x1] =	stream.indirect_vreg.gather [hbm4b:s2+s3], $0x80, v5, vm0, $0xb8;
	[tilespmem:$0x18680] =	vst v63  }
0x3c6: {  	s13 =	simm.s32 $0x7E80  }
0x3c7: {  	[tilespmem:s13], [sflag:$0x1] =	stream.indirect_vreg.gather [hbm4b:s2+s3], $0x80, v4, vm0, $0xb8;
	[tilespmem:$0x18680] =	vst v63  }
0x3c8: {  	_ =	swait.ge [sflag:s11], $0x8000  }
0x3c9: {  	[sflag:s11] =	ssyncset.done $0x0  }
0x3ca: {  	s13 =	rddreg [dreg:$0xe];
	[sflag:s11] =	ssyncadd.s32 $0xFFFF8000  }
0x3cb: {  	[hbm4b:s13+s3] =	stream.linear.scatter [tilespmem:s16], [sflag:$0x5], $0x8000, $0x38;
	[tilespmem:$0x18680] =	vst v63  }
0x3cc: {  	_ =	swait.ge [sflag:s14], $0x8000  }
0x3cd: {  	[sflag:s14] =	ssyncset.done $0x0  }
0x3ce: {  	[sflag:s14] =	ssyncadd.s32 $0xFFFF8000  }
0x3cf: {  	v4 =	vld [tilespmem:$0x500];
	_ =	sdelay $0x4  }
0x3d0: {  	v5 =	vshll.u32 v4, $0x1  }
0x3d1: {  	v4 =	vand.u32 $0x7, v4;
	v5 =	vand.u32 $0xFFFFFFF0, v5  }
0x3d2: {  	v4 =	vor.u32 v4, v5  }
0x3d3: {  	v5 =	vperm.xlane v4, v1;
	_ =	sdelay $0x1  }
0x3d4: {  	v4 =	vperm.xlane v4, v3;
	v5 =	vadd.s32 v2, v5;
	_ =	sdelay $0x1  }
0x3d5: {  	v4 =	vadd.s32 v2, v4;
	_ =	sdelay $0x2  }
0x3d6: {  	[tilespmem:s16], [sflag:$0x2] =	stream.indirect_vreg.gather [hbm4b:s2+s3], $0x80, v5, vm0, $0xb8;
	[tilespmem:$0x18680] =	vst v63  }
0x3d7: {  	s16 =	simm.s32 $0x8E80  }
0x3d8: {  	[tilespmem:s16], [sflag:$0x2] =	stream.indirect_vreg.gather [hbm4b:s2+s3], $0x80, v4, vm0, $0xb8;
	[tilespmem:$0x18680] =	vst v63  }
0x3d9: {  	v4 =	vld [tilespmem:$0x510];
	_ =	sdelay $0x4  }
0x3da: {  	v5 =	vshll.u32 v4, $0x1  }
0x3db: {  	v4 =	vand.u32 $0x7, v4;
	v5 =	vand.u32 $0xFFFFFFF0, v5  }
0x3dc: {  	v4 =	vor.u32 v4, v5  }
0x3dd: {  	v5 =	vperm.xlane v4, v1;
	_ =	sdelay $0x1  }
0x3de: {  	v4 =	vperm.xlane v4, v3;
	v5 =	vadd.s32 v2, v5;
	_ =	sdelay $0x1  }
0x3df: {  	v4 =	vadd.s32 v2, v4;
	_ =	sdelay $0x1  }
0x3e0: {  	s23 =	simm.s32 $0x9680  }
0x3e1: {  	[tilespmem:s23], [sflag:$0x2] =	stream.indirect_vreg.gather [hbm4b:s2+s3], $0x80, v5, vm0, $0xb8;
	[tilespmem:$0x18680] =	vst v63  }
0x3e2: {  	s21 =	simm.s32 $0x9E80  }
0x3e3: {  	[tilespmem:s21], [sflag:$0x2] =	stream.indirect_vreg.gather [hbm4b:s2+s3], $0x80, v4, vm0, $0xb8;
	[tilespmem:$0x18680] =	vst v63  }
0x3e4: {  	v4 =	vld [tilespmem:$0x520];
	_ =	sdelay $0x4  }
0x3e5: {  	v5 =	vshll.u32 v4, $0x1  }
0x3e6: {  	v4 =	vand.u32 $0x7, v4;
	v5 =	vand.u32 $0xFFFFFFF0, v5  }
0x3e7: {  	v4 =	vor.u32 v4, v5  }
0x3e8: {  	v5 =	vperm.xlane v4, v1;
	_ =	sdelay $0x1  }
0x3e9: {  	v4 =	vperm.xlane v4, v3;
	v5 =	vadd.s32 v2, v5;
	_ =	sdelay $0x1  }
0x3ea: {  	v4 =	vadd.s32 v2, v4;
	_ =	sdelay $0x1  }
0x3eb: {  	s19 =	simm.s32 $0xA680  }
0x3ec: {  	[tilespmem:s19], [sflag:$0x2] =	stream.indirect_vreg.gather [hbm4b:s2+s3], $0x80, v5, vm0, $0xb8;
	[tilespmem:$0x18680] =	vst v63  }
0x3ed: {  	s23 =	simm.s32 $0xAE80  }
0x3ee: {  	[tilespmem:s23], [sflag:$0x2] =	stream.indirect_vreg.gather [hbm4b:s2+s3], $0x80, v4, vm0, $0xb8;
	[tilespmem:$0x18680] =	vst v63  }
0x3ef: {  	v4 =	vld [tilespmem:$0x530];
	_ =	sdelay $0x4  }
0x3f0: {  	v5 =	vshll.u32 v4, $0x1  }
0x3f1: {  	v4 =	vand.u32 $0x7, v4;
	v5 =	vand.u32 $0xFFFFFFF0, v5  }
0x3f2: {  	v4 =	vor.u32 v4, v5  }
0x3f3: {  	v5 =	vperm.xlane v4, v1;
	_ =	sdelay $0x1  }
0x3f4: {  	v4 =	vperm.xlane v4, v3;
	v5 =	vadd.s32 v2, v5;
	_ =	sdelay $0x1  }
0x3f5: {  	v4 =	vadd.s32 v2, v4;
	_ =	sdelay $0x1  }
0x3f6: {  	s10 =	simm.s32 $0xB680  }
0x3f7: {  	[tilespmem:s10], [sflag:$0x2] =	stream.indirect_vreg.gather [hbm4b:s2+s3], $0x80, v5, vm0, $0xb8;
	[tilespmem:$0x18680] =	vst v63  }
0x3f8: {  	s28 =	simm.s32 $0xBE80  }
0x3f9: {  	[tilespmem:s28], [sflag:$0x2] =	stream.indirect_vreg.gather [hbm4b:s2+s3], $0x80, v4, vm0, $0xb8;
	[tilespmem:$0x18680] =	vst v63  }
0x3fa: {  	v4 =	vld [tilespmem:$0x540];
	_ =	sdelay $0x4  }
0x3fb: {  	v5 =	vshll.u32 v4, $0x1  }
0x3fc: {  	v4 =	vand.u32 $0x7, v4;
	v5 =	vand.u32 $0xFFFFFFF0, v5  }
0x3fd: {  	v4 =	vor.u32 v4, v5  }
0x3fe: {  	v5 =	vperm.xlane v4, v1;
	_ =	sdelay $0x1  }
0x3ff: {  	v4 =	vperm.xlane v4, v3;
	v5 =	vadd.s32 v2, v5;
	_ =	sdelay $0x1  }
0x400: {  	v4 =	vadd.s32 v2, v4;
	_ =	sdelay $0x1  }
0x401: {  	s31 =	simm.s32 $0xC680  }
0x402: {  	[tilespmem:s31], [sflag:$0x2] =	stream.indirect_vreg.gather [hbm4b:s2+s3], $0x80, v5, vm0, $0xb8;
	[tilespmem:$0x18680] =	vst v63  }
0x403: {  	s25 =	simm.s32 $0xCE80  }
0x404: {  	[tilespmem:s25], [sflag:$0x2] =	stream.indirect_vreg.gather [hbm4b:s2+s3], $0x80, v4, vm0, $0xb8;
	[tilespmem:$0x18680] =	vst v63  }
0x405: {  	v4 =	vld [tilespmem:$0x550];
	_ =	sdelay $0x4  }
0x406: {  	v5 =	vshll.u32 v4, $0x1  }
0x407: {  	v4 =	vand.u32 $0x7, v4;
	v5 =	vand.u32 $0xFFFFFFF0, v5  }
0x408: {  	v4 =	vor.u32 v4, v5  }
0x409: {  	v5 =	vperm.xlane v4, v1;
	_ =	sdelay $0x1  }
0x40a: {  	v4 =	vperm.xlane v4, v3;
	v5 =	vadd.s32 v2, v5;
	_ =	sdelay $0x1  }
0x40b: {  	v4 =	vadd.s32 v2, v4;
	_ =	sdelay $0x1  }
0x40c: {  	s20 =	simm.s32 $0xD680  }
0x40d: {  	[tilespmem:s20], [sflag:$0x2] =	stream.indirect_vreg.gather [hbm4b:s2+s3], $0x80, v5, vm0, $0xb8;
	[tilespmem:$0x18680] =	vst v63  }
0x40e: {  	s26 =	simm.s32 $0xDE80  }
0x40f: {  	[tilespmem:s26], [sflag:$0x2] =	stream.indirect_vreg.gather [hbm4b:s2+s3], $0x80, v4, vm0, $0xb8;
	[tilespmem:$0x18680] =	vst v63  }
0x410: {  	v4 =	vld [tilespmem:$0x560];
	_ =	sdelay $0x4  }
0x411: {  	v5 =	vshll.u32 v4, $0x1  }
0x412: {  	v4 =	vand.u32 $0x7, v4;
	v5 =	vand.u32 $0xFFFFFFF0, v5  }
0x413: {  	v4 =	vor.u32 v4, v5  }
0x414: {  	v5 =	vperm.xlane v4, v1;
	_ =	sdelay $0x1  }
0x415: {  	v4 =	vperm.xlane v4, v3;
	v5 =	vadd.s32 v2, v5;
	_ =	sdelay $0x1  }
0x416: {  	v4 =	vadd.s32 v2, v4;
	_ =	sdelay $0x1  }
0x417: {  	s22 =	simm.s32 $0xE680  }
0x418: {  	[tilespmem:s22], [sflag:$0x2] =	stream.indirect_vreg.gather [hbm4b:s2+s3], $0x80, v5, vm0, $0xb8;
	[tilespmem:$0x18680] =	vst v63  }
0x419: {  	s1 =	simm.s32 $0xEE80  }
0x41a: {  	[tilespmem:s1], [sflag:$0x2] =	stream.indirect_vreg.gather [hbm4b:s2+s3], $0x80, v4, vm0, $0xb8;
	[tilespmem:$0x18680] =	vst v63  }
0x41b: {  	v4 =	vld [tilespmem:$0x570];
	_ =	sdelay $0x4  }
0x41c: {  	v5 =	vshll.u32 v4, $0x1  }
0x41d: {  	v4 =	vand.u32 $0x7, v4;
	v5 =	vand.u32 $0xFFFFFFF0, v5  }
0x41e: {  	v4 =	vor.u32 v4, v5  }
0x41f: {  	v5 =	vperm.xlane v4, v1;
	_ =	sdelay $0x1  }
0x420: {  	v4 =	vperm.xlane v4, v3;
	v5 =	vadd.s32 v2, v5;
	_ =	sdelay $0x1  }
0x421: {  	v4 =	vadd.s32 v2, v4;
	_ =	sdelay $0x1  }
0x422: {  	s24 =	simm.s32 $0xF680  }
0x423: {  	[tilespmem:s24], [sflag:$0x2] =	stream.indirect_vreg.gather [hbm4b:s2+s3], $0x80, v5, vm0, $0xb8;
	[tilespmem:$0x18680] =	vst v63  }
0x424: {  	s31 =	simm.s32 $0xFE80  }
0x425: {  	[tilespmem:s31], [sflag:$0x2] =	stream.indirect_vreg.gather [hbm4b:s2+s3], $0x80, v4, vm0, $0xb8;
	[tilespmem:$0x18680] =	vst v63  }
0x426: {  	_ =	swait.ge [sflag:s15], $0x8000  }
0x427: {  	[sflag:s15] =	ssyncset.done $0x0  }
0x428: {  	s9 =	rddreg [dreg:$0xf];
	[sflag:s15] =	ssyncadd.s32 $0xFFFF8000  }
0x429: {  	[hbm4b:s9+s3] =	stream.linear.scatter [tilespmem:s0], [sflag:$0x6], $0x8000, $0x38;
	[tilespmem:$0x18680] =	vst v63  }
0x42a: {  	_ =	swait.ge [sflag:s17], $0x8000  }
0x42b: {  	[sflag:s17] =	ssyncset.done $0x0  }
0x42c: {  	[sflag:s17] =	ssyncadd.s32 $0xFFFF8000  }
0x42d: {  	v4 =	vld [tilespmem:$0x580];
	_ =	sdelay $0x4  }
0x42e: {  	v5 =	vshll.u32 v4, $0x1  }
0x42f: {  	v4 =	vand.u32 $0x7, v4;
	v5 =	vand.u32 $0xFFFFFFF0, v5  }
0x430: {  	v4 =	vor.u32 v4, v5  }
0x431: {  	v5 =	vperm.xlane v4, v1;
	_ =	sdelay $0x1  }
0x432: {  	v4 =	vperm.xlane v4, v3;
	v5 =	vadd.s32 v2, v5;
	_ =	sdelay $0x1  }
0x433: {  	v4 =	vadd.s32 v2, v4;
	_ =	sdelay $0x2  }
0x434: {  	[tilespmem:s0], [sflag:$0x3] =	stream.indirect_vreg.gather [hbm4b:s2+s3], $0x80, v5, vm0, $0xb8;
	[tilespmem:$0x18680] =	vst v63  }
0x435: {  	s10 =	simm.s32 $0x10E80  }
0x436: {  	[tilespmem:s10], [sflag:$0x3] =	stream.indirect_vreg.gather [hbm4b:s2+s3], $0x80, v4, vm0, $0xb8;
	[tilespmem:$0x18680] =	vst v63  }
0x437: {  	v4 =	vld [tilespmem:$0x590];
	_ =	sdelay $0x4  }
0x438: {  	v5 =	vshll.u32 v4, $0x1  }
0x439: {  	v4 =	vand.u32 $0x7, v4;
	v5 =	vand.u32 $0xFFFFFFF0, v5  }
0x43a: {  	v4 =	vor.u32 v4, v5  }
0x43b: {  	v5 =	vperm.xlane v4, v1;
	_ =	sdelay $0x1  }
0x43c: {  	v4 =	vperm.xlane v4, v3;
	v5 =	vadd.s32 v2, v5;
	_ =	sdelay $0x1  }
0x43d: {  	v4 =	vadd.s32 v2, v4;
	_ =	sdelay $0x1  }
0x43e: {  	s29 =	simm.s32 $0x11680  }
0x43f: {  	[tilespmem:s29], [sflag:$0x3] =	stream.indirect_vreg.gather [hbm4b:s2+s3], $0x80, v5, vm0, $0xb8;
	[tilespmem:$0x18680] =	vst v63  }
0x440: {  	s13 =	simm.s32 $0x11E80  }
0x441: {  	[tilespmem:s13], [sflag:$0x3] =	stream.indirect_vreg.gather [hbm4b:s2+s3], $0x80, v4, vm0, $0xb8;
	[tilespmem:$0x18680] =	vst v63  }
0x442: {  	v4 =	vld [tilespmem:$0x5A0];
	_ =	sdelay $0x4  }
0x443: {  	v5 =	vshll.u32 v4, $0x1  }
0x444: {  	v4 =	vand.u32 $0x7, v4;
	v5 =	vand.u32 $0xFFFFFFF0, v5  }
0x445: {  	v4 =	vor.u32 v4, v5  }
0x446: {  	v5 =	vperm.xlane v4, v1;
	_ =	sdelay $0x1  }
0x447: {  	v4 =	vperm.xlane v4, v3;
	v5 =	vadd.s32 v2, v5;
	_ =	sdelay $0x1  }
0x448: {  	v4 =	vadd.s32 v2, v4;
	_ =	sdelay $0x1  }
0x449: {  	s30 =	simm.s32 $0x12680  }
0x44a: {  	[tilespmem:s30], [sflag:$0x3] =	stream.indirect_vreg.gather [hbm4b:s2+s3], $0x80, v5, vm0, $0xb8;
	[tilespmem:$0x18680] =	vst v63  }
0x44b: {  	s19 =	simm.s32 $0x12E80  }
0x44c: {  	[tilespmem:s19], [sflag:$0x3] =	stream.indirect_vreg.gather [hbm4b:s2+s3], $0x80, v4, vm0, $0xb8;
	[tilespmem:$0x18680] =	vst v63  }
0x44d: {  	v4 =	vld [tilespmem:$0x5B0];
	_ =	sdelay $0x4  }
0x44e: {  	v5 =	vshll.u32 v4, $0x1  }
0x44f: {  	v4 =	vand.u32 $0x7, v4;
	v5 =	vand.u32 $0xFFFFFFF0, v5  }
0x450: {  	v4 =	vor.u32 v4, v5  }
0x451: {  	v5 =	vperm.xlane v4, v1;
	_ =	sdelay $0x1  }
0x452: {  	v4 =	vperm.xlane v4, v3;
	v5 =	vadd.s32 v2, v5;
	_ =	sdelay $0x1  }
0x453: {  	v4 =	vadd.s32 v2, v4;
	_ =	sdelay $0x1  }
0x454: {  	s20 =	simm.s32 $0x13680  }
0x455: {  	[tilespmem:s20], [sflag:$0x3] =	stream.indirect_vreg.gather [hbm4b:s2+s3], $0x80, v5, vm0, $0xb8;
	[tilespmem:$0x18680] =	vst v63  }
0x456: {  	s21 =	simm.s32 $0x13E80  }
0x457: {  	[tilespmem:s21], [sflag:$0x3] =	stream.indirect_vreg.gather [hbm4b:s2+s3], $0x80, v4, vm0, $0xb8;
	[tilespmem:$0x18680] =	vst v63  }
0x458: {  	v4 =	vld [tilespmem:$0x5C0];
	_ =	sdelay $0x4  }
0x459: {  	v5 =	vshll.u32 v4, $0x1  }
0x45a: {  	v4 =	vand.u32 $0x7, v4;
	v5 =	vand.u32 $0xFFFFFFF0, v5  }
0x45b: {  	v4 =	vor.u32 v4, v5  }
0x45c: {  	v5 =	vperm.xlane v4, v1;
	_ =	sdelay $0x1  }
0x45d: {  	v4 =	vperm.xlane v4, v3;
	v5 =	vadd.s32 v2, v5;
	_ =	sdelay $0x1  }
0x45e: {  	v4 =	vadd.s32 v2, v4;
	_ =	sdelay $0x1  }
0x45f: {  	s22 =	simm.s32 $0x14680  }
0x460: {  	[tilespmem:s22], [sflag:$0x3] =	stream.indirect_vreg.gather [hbm4b:s2+s3], $0x80, v5, vm0, $0xb8;
	[tilespmem:$0x18680] =	vst v63  }
0x461: {  	s23 =	simm.s32 $0x14E80  }
0x462: {  	[tilespmem:s23], [sflag:$0x3] =	stream.indirect_vreg.gather [hbm4b:s2+s3], $0x80, v4, vm0, $0xb8;
	[tilespmem:$0x18680] =	vst v63  }
0x463: {  	v4 =	vld [tilespmem:$0x5D0];
	_ =	sdelay $0x4  }
0x464: {  	v5 =	vshll.u32 v4, $0x1  }
0x465: {  	v4 =	vand.u32 $0x7, v4;
	v5 =	vand.u32 $0xFFFFFFF0, v5  }
0x466: {  	v4 =	vor.u32 v4, v5  }
0x467: {  	v5 =	vperm.xlane v4, v1;
	_ =	sdelay $0x1  }
0x468: {  	v4 =	vperm.xlane v4, v3;
	v5 =	vadd.s32 v2, v5;
	_ =	sdelay $0x1  }
0x469: {  	v4 =	vadd.s32 v2, v4;
	_ =	sdelay $0x1  }
0x46a: {  	s24 =	simm.s32 $0x15680  }
0x46b: {  	[tilespmem:s24], [sflag:$0x3] =	stream.indirect_vreg.gather [hbm4b:s2+s3], $0x80, v5, vm0, $0xb8;
	[tilespmem:$0x18680] =	vst v63  }
0x46c: {  	s25 =	simm.s32 $0x15E80  }
0x46d: {  	[tilespmem:s25], [sflag:$0x3] =	stream.indirect_vreg.gather [hbm4b:s2+s3], $0x80, v4, vm0, $0xb8;
	[tilespmem:$0x18680] =	vst v63  }
0x46e: {  	v4 =	vld [tilespmem:$0x5E0];
	_ =	sdelay $0x4  }
0x46f: {  	v5 =	vshll.u32 v4, $0x1  }
0x470: {  	v4 =	vand.u32 $0x7, v4;
	v5 =	vand.u32 $0xFFFFFFF0, v5  }
0x471: {  	v4 =	vor.u32 v4, v5  }
0x472: {  	v5 =	vperm.xlane v4, v1;
	_ =	sdelay $0x1  }
0x473: {  	v4 =	vperm.xlane v4, v3;
	v5 =	vadd.s32 v2, v5;
	_ =	sdelay $0x1  }
0x474: {  	v4 =	vadd.s32 v2, v4;
	_ =	sdelay $0x1  }
0x475: {  	s26 =	simm.s32 $0x16680  }
0x476: {  	[tilespmem:s26], [sflag:$0x3] =	stream.indirect_vreg.gather [hbm4b:s2+s3], $0x80, v5, vm0, $0xb8;
	[tilespmem:$0x18680] =	vst v63  }
0x477: {  	s28 =	simm.s32 $0x16E80  }
0x478: {  	[tilespmem:s28], [sflag:$0x3] =	stream.indirect_vreg.gather [hbm4b:s2+s3], $0x80, v4, vm0, $0xb8;
	[tilespmem:$0x18680] =	vst v63  }
0x479: {  	v4 =	vld [tilespmem:$0x5F0];
	_ =	sdelay $0x4  }
0x47a: {  	v5 =	vshll.u32 v4, $0x1  }
0x47b: {  	v4 =	vand.u32 $0x7, v4;
	v5 =	vand.u32 $0xFFFFFFF0, v5  }
0x47c: {  	v4 =	vor.u32 v4, v5  }
0x47d: {  	v5 =	vperm.xlane v4, v1;
	_ =	sdelay $0x1  }
0x47e: {  	v4 =	vperm.xlane v4, v3;
	v5 =	vadd.s32 v2, v5;
	_ =	sdelay $0x1  }
0x47f: {  	v4 =	vadd.s32 v2, v4;
	_ =	sdelay $0x1  }
0x480: {  	s29 =	simm.s32 $0x17680  }
0x481: {  	[tilespmem:s29], [sflag:$0x3] =	stream.indirect_vreg.gather [hbm4b:s2+s3], $0x80, v5, vm0, $0xb8;
	[tilespmem:$0x18680] =	vst v63  }
0x482: {  	s30 =	simm.s32 $0x17E80  }
0x483: {  	[tilespmem:s30], [sflag:$0x3] =	stream.indirect_vreg.gather [hbm4b:s2+s3], $0x80, v4, vm0, $0xb8;
	[tilespmem:$0x18680] =	vst v63  }
.Ltmp3:
0x484: {  	_ = 	snop;
	(pc) =	sbr.rel @p0 .LBB2_5-.Ltmp3, $4  }
0x485: {  	s6 =	simm.s32 $0x5680;
	s5 =	simm.s32 $0x8680;
	_ =	swait.ge [sflag:s7], $0x8000  }
0x486: {  	s8 =	simm.s32 $0x7E80;
	s16 =	simm.s32 $0x10680;
	[sflag:s7] =	ssyncset.done $0x0  }
0x487: {  	s1 =	simm.s32 $0x680;
	s31 =	rddreg [dreg:$0x10];
	[sflag:s7] =	ssyncadd.s32 $0xFFFF8000  }
0x488: {  	[hbm4b:s31+s3] =	stream.linear.scatter [tilespmem:s1], [sflag:$0x4], $0x8000, $0x38;
	[tilespmem:$0x18680] =	vst v63  }
0x489: {  	_ =	swait.ge [sflag:s12], $0x8000  }
0x48a: {  	[sflag:s12] =	ssyncset.done $0x0  }
0x48b: {  	[sflag:s12] =	ssyncadd.s32 $0xFFFF8000  }
0x48c: {  	v4 =	vld [tilespmem:$0x600];
	_ =	sdelay $0x4  }
0x48d: {  	v5 =	vshll.u32 v4, $0x1  }
0x48e: {  	v4 =	vand.u32 $0x7, v4;
	v5 =	vand.u32 $0xFFFFFFF0, v5  }
0x48f: {  	v4 =	vor.u32 v4, v5  }
0x490: {  	v5 =	vperm.xlane v4, v1;
	_ =	sdelay $0x1  }
0x491: {  	v4 =	vperm.xlane v4, v3;
	v5 =	vadd.s32 v2, v5;
	_ =	sdelay $0x1  }
0x492: {  	v4 =	vadd.s32 v2, v4;
	_ =	sdelay $0x2  }
0x493: {  	[tilespmem:s1], [sflag:$0x1] =	stream.indirect_vreg.gather [hbm4b:s2+s3], $0x80, v5, vm0, $0xb8;
	[tilespmem:$0x18680] =	vst v63  }
0x494: {  	s4 =	simm.s32 $0xE80  }
0x495: {  	[tilespmem:s4], [sflag:$0x1] =	stream.indirect_vreg.gather [hbm4b:s2+s3], $0x80, v4, vm0, $0xb8;
	[tilespmem:$0x18680] =	vst v63  }
0x496: {  	v4 =	vld [tilespmem:$0x610];
	_ =	sdelay $0x4  }
0x497: {  	v5 =	vshll.u32 v4, $0x1  }
0x498: {  	v4 =	vand.u32 $0x7, v4;
	v5 =	vand.u32 $0xFFFFFFF0, v5  }
0x499: {  	v4 =	vor.u32 v4, v5  }
0x49a: {  	v5 =	vperm.xlane v4, v1;
	_ =	sdelay $0x1  }
0x49b: {  	v4 =	vperm.xlane v4, v3;
	v5 =	vadd.s32 v2, v5;
	_ =	sdelay $0x1  }
0x49c: {  	v4 =	vadd.s32 v2, v4;
	_ =	sdelay $0x1  }
0x49d: {  	s20 =	simm.s32 $0x1680  }
0x49e: {  	[tilespmem:s20], [sflag:$0x1] =	stream.indirect_vreg.gather [hbm4b:s2+s3], $0x80, v5, vm0, $0xb8;
	[tilespmem:$0x18680] =	vst v63  }
0x49f: {  	s0 =	simm.s32 $0x1E80  }
0x4a0: {  	[tilespmem:s0], [sflag:$0x1] =	stream.indirect_vreg.gather [hbm4b:s2+s3], $0x80, v4, vm0, $0xb8;
	[tilespmem:$0x18680] =	vst v63  }
0x4a1: {  	v4 =	vld [tilespmem:$0x620];
	_ =	sdelay $0x4  }
0x4a2: {  	v5 =	vshll.u32 v4, $0x1  }
0x4a3: {  	v4 =	vand.u32 $0x7, v4;
	v5 =	vand.u32 $0xFFFFFFF0, v5  }
0x4a4: {  	v4 =	vor.u32 v4, v5  }
0x4a5: {  	v5 =	vperm.xlane v4, v1;
	_ =	sdelay $0x1  }
0x4a6: {  	v4 =	vperm.xlane v4, v3;
	v5 =	vadd.s32 v2, v5;
	_ =	sdelay $0x1  }
0x4a7: {  	v4 =	vadd.s32 v2, v4;
	_ =	sdelay $0x1  }
0x4a8: {  	s21 =	simm.s32 $0x2680  }
0x4a9: {  	[tilespmem:s21], [sflag:$0x1] =	stream.indirect_vreg.gather [hbm4b:s2+s3], $0x80, v5, vm0, $0xb8;
	[tilespmem:$0x18680] =	vst v63  }
0x4aa: {  	s22 =	simm.s32 $0x2E80  }
0x4ab: {  	[tilespmem:s22], [sflag:$0x1] =	stream.indirect_vreg.gather [hbm4b:s2+s3], $0x80, v4, vm0, $0xb8;
	[tilespmem:$0x18680] =	vst v63  }
0x4ac: {  	v4 =	vld [tilespmem:$0x630];
	_ =	sdelay $0x4  }
0x4ad: {  	v5 =	vshll.u32 v4, $0x1  }
0x4ae: {  	v4 =	vand.u32 $0x7, v4;
	v5 =	vand.u32 $0xFFFFFFF0, v5  }
0x4af: {  	v4 =	vor.u32 v4, v5  }
0x4b0: {  	v5 =	vperm.xlane v4, v1;
	_ =	sdelay $0x1  }
0x4b1: {  	v4 =	vperm.xlane v4, v3;
	v5 =	vadd.s32 v2, v5;
	_ =	sdelay $0x1  }
0x4b2: {  	v4 =	vadd.s32 v2, v4;
	_ =	sdelay $0x1  }
0x4b3: {  	s23 =	simm.s32 $0x3680  }
0x4b4: {  	[tilespmem:s23], [sflag:$0x1] =	stream.indirect_vreg.gather [hbm4b:s2+s3], $0x80, v5, vm0, $0xb8;
	[tilespmem:$0x18680] =	vst v63  }
0x4b5: {  	s24 =	simm.s32 $0x3E80  }
0x4b6: {  	[tilespmem:s24], [sflag:$0x1] =	stream.indirect_vreg.gather [hbm4b:s2+s3], $0x80, v4, vm0, $0xb8;
	[tilespmem:$0x18680] =	vst v63  }
0x4b7: {  	v4 =	vld [tilespmem:$0x640];
	_ =	sdelay $0x4  }
0x4b8: {  	v5 =	vshll.u32 v4, $0x1  }
0x4b9: {  	v4 =	vand.u32 $0x7, v4;
	v5 =	vand.u32 $0xFFFFFFF0, v5  }
0x4ba: {  	v4 =	vor.u32 v4, v5  }
0x4bb: {  	v5 =	vperm.xlane v4, v1;
	_ =	sdelay $0x1  }
0x4bc: {  	v4 =	vperm.xlane v4, v3;
	v5 =	vadd.s32 v2, v5;
	_ =	sdelay $0x1  }
0x4bd: {  	v4 =	vadd.s32 v2, v4;
	_ =	sdelay $0x1  }
0x4be: {  	s25 =	simm.s32 $0x4680  }
0x4bf: {  	[tilespmem:s25], [sflag:$0x1] =	stream.indirect_vreg.gather [hbm4b:s2+s3], $0x80, v5, vm0, $0xb8;
	[tilespmem:$0x18680] =	vst v63  }
0x4c0: {  	s26 =	simm.s32 $0x4E80  }
0x4c1: {  	[tilespmem:s26], [sflag:$0x1] =	stream.indirect_vreg.gather [hbm4b:s2+s3], $0x80, v4, vm0, $0xb8;
	[tilespmem:$0x18680] =	vst v63  }
0x4c2: {  	v4 =	vld [tilespmem:$0x650];
	_ =	sdelay $0x4  }
0x4c3: {  	v5 =	vshll.u32 v4, $0x1  }
0x4c4: {  	v4 =	vand.u32 $0x7, v4;
	v5 =	vand.u32 $0xFFFFFFF0, v5  }
0x4c5: {  	v4 =	vor.u32 v4, v5  }
0x4c6: {  	v5 =	vperm.xlane v4, v1;
	_ =	sdelay $0x1  }
0x4c7: {  	v4 =	vperm.xlane v4, v3;
	v5 =	vadd.s32 v2, v5;
	_ =	sdelay $0x1  }
0x4c8: {  	v4 =	vadd.s32 v2, v4;
	_ =	sdelay $0x2  }
0x4c9: {  	[tilespmem:s6], [sflag:$0x1] =	stream.indirect_vreg.gather [hbm4b:s2+s3], $0x80, v5, vm0, $0xb8;
	[tilespmem:$0x18680] =	vst v63  }
0x4ca: {  	s28 =	simm.s32 $0x5E80  }
0x4cb: {  	[tilespmem:s28], [sflag:$0x1] =	stream.indirect_vreg.gather [hbm4b:s2+s3], $0x80, v4, vm0, $0xb8;
	[tilespmem:$0x18680] =	vst v63  }
0x4cc: {  	v4 =	vld [tilespmem:$0x660];
	_ =	sdelay $0x4  }
0x4cd: {  	v5 =	vshll.u32 v4, $0x1  }
0x4ce: {  	v4 =	vand.u32 $0x7, v4;
	v5 =	vand.u32 $0xFFFFFFF0, v5  }
0x4cf: {  	v4 =	vor.u32 v4, v5  }
0x4d0: {  	v5 =	vperm.xlane v4, v1;
	_ =	sdelay $0x1  }
0x4d1: {  	v4 =	vperm.xlane v4, v3;
	v5 =	vadd.s32 v2, v5;
	_ =	sdelay $0x1  }
0x4d2: {  	v4 =	vadd.s32 v2, v4;
	_ =	sdelay $0x1  }
0x4d3: {  	s29 =	simm.s32 $0x6680  }
0x4d4: {  	[tilespmem:s29], [sflag:$0x1] =	stream.indirect_vreg.gather [hbm4b:s2+s3], $0x80, v5, vm0, $0xb8;
	[tilespmem:$0x18680] =	vst v63  }
0x4d5: {  	s30 =	simm.s32 $0x6E80  }
0x4d6: {  	[tilespmem:s30], [sflag:$0x1] =	stream.indirect_vreg.gather [hbm4b:s2+s3], $0x80, v4, vm0, $0xb8;
	[tilespmem:$0x18680] =	vst v63  }
0x4d7: {  	v4 =	vld [tilespmem:$0x670];
	_ =	sdelay $0x4  }
0x4d8: {  	v5 =	vshll.u32 v4, $0x1  }
0x4d9: {  	v4 =	vand.u32 $0x7, v4;
	v5 =	vand.u32 $0xFFFFFFF0, v5  }
0x4da: {  	v4 =	vor.u32 v4, v5  }
0x4db: {  	v5 =	vperm.xlane v4, v1;
	_ =	sdelay $0x1  }
0x4dc: {  	v4 =	vperm.xlane v4, v3;
	v5 =	vadd.s32 v2, v5;
	_ =	sdelay $0x1  }
0x4dd: {  	v4 =	vadd.s32 v2, v4;
	_ =	sdelay $0x1  }
0x4de: {  	s31 =	simm.s32 $0x7680  }
0x4df: {  	[tilespmem:s31], [sflag:$0x1] =	stream.indirect_vreg.gather [hbm4b:s2+s3], $0x80, v5, vm0, $0xb8;
	[tilespmem:$0x18680] =	vst v63  }
0x4e0: {  	_ = 	snop  }
0x4e1: {  	[tilespmem:s8], [sflag:$0x1] =	stream.indirect_vreg.gather [hbm4b:s2+s3], $0x80, v4, vm0, $0xb8;
	[tilespmem:$0x18680] =	vst v63  }
.LBB2_5:
0x4e2: {  	_ =	swait.ge [sflag:s11], $0x8000  }
0x4e3: {  	[sflag:s11] =	ssyncset.done $0x0  }
0x4e4: {  	s4 =	rddreg [dreg:$0x11];
	[sflag:s11] =	ssyncadd.s32 $0xFFFF8000  }
0x4e5: {  	[hbm4b:s4+s3] =	stream.linear.scatter [tilespmem:s5], [sflag:$0x5], $0x8000, $0x38;
	[tilespmem:$0x18680] =	vst v63  }
0x4e6: {  	_ =	swait.ge [sflag:s15], $0x8000  }
0x4e7: {  	[sflag:s15] =	ssyncset.done $0x0  }
0x4e8: {  	s19 =	simm.s32 @!p0 $0x1;
	s31 =	rddreg [dreg:$0x12];
	[sflag:s15] =	ssyncadd.s32 $0xFFFF8000  }
0x4e9: {  	[hbm4b:s31+s3] =	stream.linear.scatter [tilespmem:s16], [sflag:$0x6], $0x8000, $0x38;
	[tilespmem:$0x18680] =	vst v63  }
0x4ea: {  	_ =	swait.ge @!p0 [sflag:s19], $0x8000  }
0x4eb: {  	s21 =	simm.s32 @!p0 $0x680;
	[sflag:s19] =	ssyncset.done @!p0 $0x0  }
0x4ec: {  	s4 =	rddreg [dreg:$0x13];
	[sflag:s19] =	ssyncadd.s32 @!p0 $0xFFFF8000;
	s19 =	simm.s32 @!p0 $0x0  }
0x4ed: {  	[hbm4b:s4+s19] =	stream.linear.scatter @!p0 [tilespmem:s21], [sflag:$0x4], $0x8000, $0x38;
	[tilespmem:$0x18680] =	vst v63  }
0x4ee: {  	_ =	swait.ge [sflag:s12], $0x8000  }
0x4ef: {  	[sflag:s12] =	ssyncset.done $0x0  }
0x4f0: {  	[sflag:s12] =	ssyncadd.s32 $0xFFFF8000  }
0x4f1: {  	_ =	swait.ge [sflag:s14], $0x8000  }
.Ltmp4:
0x4f2: {  	[sflag:s14] =	ssyncset.done $0x0;
	(pc) =	sbr.rel @p1 .LBB2_7-.Ltmp4, $4  }
0x4f3: {  	[sflag:s14] =	ssyncadd.s32 $0xFFFF8000  }
0x4f4: {  	_ =	swait.ge [sflag:s17], $0x8000  }
0x4f5: {  	[sflag:s17] =	ssyncset.done $0x0  }
0x4f6: {  	[sflag:s17] =	ssyncadd.s32 $0xFFFF8000  }
0x4f7: {  	v4 =	vld [tilespmem:$0x600];
	_ =	sdelay $0x4  }
0x4f8: {  	v5 =	vshll.u32 v4, $0x1  }
0x4f9: {  	v4 =	vand.u32 $0x7, v4;
	v5 =	vand.u32 $0xFFFFFFF0, v5  }
0x4fa: {  	v4 =	vor.u32 v4, v5  }
0x4fb: {  	v5 =	vperm.xlane v4, v1;
	_ =	sdelay $0x1  }
0x4fc: {  	v4 =	vperm.xlane v4, v3;
	v5 =	vadd.s32 v2, v5;
	_ =	sdelay $0x1  }
0x4fd: {  	v4 =	vadd.s32 v2, v4;
	_ =	sdelay $0x2  }
0x4fe: {  	[tilespmem:s1], [sflag:$0x1] =	stream.indirect_vreg.gather [hbm4b:s2+s3], $0x80, v5, vm0, $0xb8;
	[tilespmem:$0x18680] =	vst v63  }
0x4ff: {  	s4 =	simm.s32 $0xE80  }
0x500: {  	[tilespmem:s4], [sflag:$0x1] =	stream.indirect_vreg.gather [hbm4b:s2+s3], $0x80, v4, vm0, $0xb8;
	[tilespmem:$0x18680] =	vst v63  }
0x501: {  	v4 =	vld [tilespmem:$0x610];
	_ =	sdelay $0x4  }
0x502: {  	v5 =	vshll.u32 v4, $0x1  }
0x503: {  	v4 =	vand.u32 $0x7, v4;
	v5 =	vand.u32 $0xFFFFFFF0, v5  }
0x504: {  	v4 =	vor.u32 v4, v5  }
0x505: {  	v5 =	vperm.xlane v4, v1;
	_ =	sdelay $0x1  }
0x506: {  	v4 =	vperm.xlane v4, v3;
	v5 =	vadd.s32 v2, v5;
	_ =	sdelay $0x1  }
0x507: {  	v4 =	vadd.s32 v2, v4;
	_ =	sdelay $0x1  }
0x508: {  	s22 =	simm.s32 $0x1680  }
0x509: {  	[tilespmem:s22], [sflag:$0x1] =	stream.indirect_vreg.gather [hbm4b:s2+s3], $0x80, v5, vm0, $0xb8;
	[tilespmem:$0x18680] =	vst v63  }
0x50a: {  	s0 =	simm.s32 $0x1E80  }
0x50b: {  	[tilespmem:s0], [sflag:$0x1] =	stream.indirect_vreg.gather [hbm4b:s2+s3], $0x80, v4, vm0, $0xb8;
	[tilespmem:$0x18680] =	vst v63  }
0x50c: {  	v4 =	vld [tilespmem:$0x620];
	_ =	sdelay $0x4  }
0x50d: {  	v5 =	vshll.u32 v4, $0x1  }
0x50e: {  	v4 =	vand.u32 $0x7, v4;
	v5 =	vand.u32 $0xFFFFFFF0, v5  }
0x50f: {  	v4 =	vor.u32 v4, v5  }
0x510: {  	v5 =	vperm.xlane v4, v1;
	_ =	sdelay $0x1  }
0x511: {  	v4 =	vperm.xlane v4, v3;
	v5 =	vadd.s32 v2, v5;
	_ =	sdelay $0x1  }
0x512: {  	v4 =	vadd.s32 v2, v4;
	_ =	sdelay $0x1  }
0x513: {  	s23 =	simm.s32 $0x2680  }
0x514: {  	[tilespmem:s23], [sflag:$0x1] =	stream.indirect_vreg.gather [hbm4b:s2+s3], $0x80, v5, vm0, $0xb8;
	[tilespmem:$0x18680] =	vst v63  }
0x515: {  	s24 =	simm.s32 $0x2E80  }
0x516: {  	[tilespmem:s24], [sflag:$0x1] =	stream.indirect_vreg.gather [hbm4b:s2+s3], $0x80, v4, vm0, $0xb8;
	[tilespmem:$0x18680] =	vst v63  }
0x517: {  	v4 =	vld [tilespmem:$0x630];
	_ =	sdelay $0x4  }
0x518: {  	v5 =	vshll.u32 v4, $0x1  }
0x519: {  	v4 =	vand.u32 $0x7, v4;
	v5 =	vand.u32 $0xFFFFFFF0, v5  }
0x51a: {  	v4 =	vor.u32 v4, v5  }
0x51b: {  	v5 =	vperm.xlane v4, v1;
	_ =	sdelay $0x1  }
0x51c: {  	v4 =	vperm.xlane v4, v3;
	v5 =	vadd.s32 v2, v5;
	_ =	sdelay $0x1  }
0x51d: {  	v4 =	vadd.s32 v2, v4;
	_ =	sdelay $0x1  }
0x51e: {  	s25 =	simm.s32 $0x3680  }
0x51f: {  	[tilespmem:s25], [sflag:$0x1] =	stream.indirect_vreg.gather [hbm4b:s2+s3], $0x80, v5, vm0, $0xb8;
	[tilespmem:$0x18680] =	vst v63  }
0x520: {  	s26 =	simm.s32 $0x3E80  }
0x521: {  	[tilespmem:s26], [sflag:$0x1] =	stream.indirect_vreg.gather [hbm4b:s2+s3], $0x80, v4, vm0, $0xb8;
	[tilespmem:$0x18680] =	vst v63  }
0x522: {  	v4 =	vld [tilespmem:$0x640];
	_ =	sdelay $0x4  }
0x523: {  	v5 =	vshll.u32 v4, $0x1  }
0x524: {  	v4 =	vand.u32 $0x7, v4;
	v5 =	vand.u32 $0xFFFFFFF0, v5  }
0x525: {  	v4 =	vor.u32 v4, v5  }
0x526: {  	v5 =	vperm.xlane v4, v1;
	_ =	sdelay $0x1  }
0x527: {  	v4 =	vperm.xlane v4, v3;
	v5 =	vadd.s32 v2, v5;
	_ =	sdelay $0x1  }
0x528: {  	v4 =	vadd.s32 v2, v4;
	_ =	sdelay $0x1  }
0x529: {  	s28 =	simm.s32 $0x4680  }
0x52a: {  	[tilespmem:s28], [sflag:$0x1] =	stream.indirect_vreg.gather [hbm4b:s2+s3], $0x80, v5, vm0, $0xb8;
	[tilespmem:$0x18680] =	vst v63  }
0x52b: {  	s29 =	simm.s32 $0x4E80  }
0x52c: {  	[tilespmem:s29], [sflag:$0x1] =	stream.indirect_vreg.gather [hbm4b:s2+s3], $0x80, v4, vm0, $0xb8;
	[tilespmem:$0x18680] =	vst v63  }
0x52d: {  	_ =	swait.ge [sflag:s7], $0x5000  }
0x52e: {  	s31 =	simm.s32 $0x7;
	[sflag:s7] =	ssyncset.done $0x0  }
.Ltmp5:
0x52f: {  	s30 =	rddreg [dreg:$0x14];
	[sflag:s7] =	ssyncadd.s32 $0xFFFFB000;
	(pc) =	sbr.rel .LBB2_7-.Ltmp5, $4  }
0x530: {  	[hbm4b:s30+s3] =	stream.linear.scatter [tilespmem:s1], [sflag:$0x7], $0x5000, $0x38;
	[tilespmem:$0x18680] =	vst v63  }
0x531: {  	_ =	swait.ge [sflag:s31], $0x5000  }
0x532: {  	[sflag:s31] =	ssyncset.done $0x0  }
0x533: {  	[sflag:s31] =	ssyncadd.s32 $0xFFFFB000  }
.LBB2_8:
0x534: {  	_ =	sfence.sel $0x180000  }
0x535: {  	[bflag:$0x0] =	sbarrier.arrive $0xFFFF  }
0x536: {  	_ =	strace $0x90000047  }
0x537: {  	s0 =	stileid.u32;
	[bflag:$0x2] =	sbarrier.arrive $0xFFFF  }
0x538: {  	p0 =	sne.s32 s0, $0x0;
	s0 =	rddreg [dreg:$0x3]  }
0x539: {  	s0 =	sadd.s32 @!p0 $0x100000, s0  }
0x53a: {  	[sflag:s0] =	ssyncadd.tile.s32 @!p0 $0x1;
	_ =	shalt  }
.Lfunc_end2:
_tile_overlayer_lowered:
.L_overlay_start_2:
0x53b: {  	(tag) =	ssettag $0x2  }
0x53c: {  	s0 =	rddreg [dreg:$0x0];
	s2 =	stileid.u32  }
0x53d: {  	s1 =	rddreg [dreg:$0x1];
	p0 =	sne.s32 s2, $0x0  }
0x53e: {  	s3 =	rddreg [dreg:$0x2];
	[bflag:$0x3] =	sbarrier.arrive $0xFFFF;
	s2 =	simm.s32 @!p0 $0x1C07  }
0x53f: {  	[timem:s3], [sflag:s2] =	dma.local @!p0 [hbm:s0], s1  }
0x540: {  	s0 =	simm.s32 @!p0 $0x7  }
0x541: {  	_ =	swait.ge @!p0 [sflag:s0], s1  }
0x542: {  	s1 =	ssub.s32 @!p0 $0x0, s1;
	[sflag:s0] =	ssyncset.done @!p0 $0x0  }
0x543: {  	[sflag:s0] =	ssyncadd.s32 @!p0 s1  }
0x544: {  	[bflag:$0x3] =	sbarrier.arrive $0xFFFF  }
0x545: {  	_ =	shalt  }

</sc_bundles>
